<compile_context>
chip_gen: v7x
topology: tpu7x:2x2x1
jax: 0.10.2.dev20260603
libtpu: 0.0.44.dev20260713+nightly
codegen_flags: <defaults>
</compile_context>

<pallas_src>
import functools

import jax
import jax.numpy as jnp
from jax import lax
from jax.experimental import pallas as pl
from jax.experimental.pallas import tpu as pltpu
from jax.experimental.pallas import tpu_sc as plsc

D = 128
NC = 2
NS = 16
NW = NC * NS
CH = 128
K = 4


def _sc_gather(xt, weight):
    fields, batch = xt.shape
    nb_per_w = batch // NW
    cpf = nb_per_w // CH
    mesh = plsc.VectorSubcoreMesh(core_axis_name="c", subcore_axis_name="s")

    @functools.partial(
        pl.kernel,
        mesh=mesh,
        out_type=jax.ShapeDtypeStruct((fields, batch, D), jnp.float32),
        scratch_types=[
            pltpu.VMEM((fields, nb_per_w), jnp.int32),
            pltpu.VMEM((K, CH, D), jnp.float32),
            pltpu.SemaphoreType.DMA,
            pltpu.SemaphoreType.DMA,
        ],
    )
    def k(xt_hbm, w_hbm, out_hbm, idx_v, buf_v, gsem, ssem):
        wid = lax.axis_index("s") * NC + lax.axis_index("c")
        base = wid * nb_per_w
        pltpu.sync_copy(xt_hbm.at[:, pl.ds(base, nb_per_w)], idx_v)

        def start_gather(j, cc, b):
            return pltpu.async_copy(
                w_hbm.at[idx_v.at[j, pl.ds(cc * CH, CH)]], buf_v.at[b], gsem
            )

        def start_scatter(j, cc, b):
            return pltpu.async_copy(
                buf_v.at[b], out_hbm.at[j, pl.ds(base + cc * CH, CH)], ssem
            )

        def wait_scatter(j, cc, b):
            pltpu.make_async_copy(
                buf_v.at[b], out_hbm.at[j, pl.ds(base + cc * CH, CH)], ssem
            ).wait()

        gathers = [start_gather(0, b, b) for b in range(K)]
        for b in range(K):
            gathers[b].wait()
            start_scatter(0, b, b)

        def field(j, carry):
            gathers = []
            for b in range(K):
                wait_scatter(j - 1, b, b)
                gathers.append(start_gather(j, b, b))
            for b in range(K):
                gathers[b].wait()
                start_scatter(j, b, b)
            return carry

        lax.fori_loop(1, fields, field, 0, unroll=False)

        for b in range(K):
            wait_scatter(fields - 1, b, b)

    return k(xt, weight)


def kernel(x, weight):
    batch, fields = x.shape
    assert batch % (NW * CH * K) == 0 and batch // NW // CH == K
    xt = jnp.transpose(x.astype(jnp.int32))
    out_t = _sc_gather(xt, weight)
    return jnp.transpose(out_t, (1, 0, 2))

# --- scband reference (transcript-rebuilt; emitter-appended) ---
"""Pipeline reference for scband-embedding-60979945668690 (READ-ONLY COPY).

The authoritative reference and input builder live on the scoring server;
editing this copy changes nothing except your own understanding.
"""

import jax, jax.numpy as jnp
import numpy as np

NUM_EMBEDDINGS = 100000
EMBEDDING_DIM = 128
BATCH = 16384
FIELDS = 26


def setup_inputs(seed: int = 0) -> dict:
    key = jax.random.key(seed)
    k_idx, k_w = jax.random.split(key)
    x = jax.random.randint(k_idx, (BATCH, FIELDS), 0, NUM_EMBEDDINGS, dtype=jnp.int64 if jax.config.jax_enable_x64 else jnp.int32)
    # trunc_normal_(weight, mean=0, std=1, a=-3, b=3)
    weight = jax.random.truncated_normal(k_w, -3.0, 3.0, (NUM_EMBEDDINGS, EMBEDDING_DIM), dtype=jnp.float32)
    return {"x": x, "weight": weight}


def reference(x, weight):
    # Faithful translation of: return self.weight[x]
    return jnp.take(weight, x, axis=0)

if __name__ == "__main__":
    import jax
    _d = setup_inputs()
    print(jax.jit(kernel)(*tuple(_d.values())))

</pallas_src>

<mosaic_0001>
#map = affine_map<(d0, d1) -> (0, 0)>
#map1 = affine_map<(d0, d1) -> (0, 0, 0)>
module attributes {stable_mosaic.version = 14 : i64} {
  func.func @k(%arg0: i32, %arg1: i32, %arg2: memref<26x16384xi32, #tpu.memory_space<hbm>>, %arg3: memref<100000x128xf32, #tpu.memory_space<hbm>>, %arg4: memref<26x16384x128xf32, #tpu.memory_space<hbm>>, %arg5: memref<26x512xi32, #tpu.memory_space<vmem>>, %arg6: memref<4x128x128xf32, #tpu.memory_space<vmem>>, %arg7: memref<!tpu.dma_semaphore, #tpu.memory_space<semaphore_mem>>, %arg8: memref<!tpu.dma_semaphore, #tpu.memory_space<semaphore_mem>>) attributes {dimension_semantics = [#tpu.dimension_semantics<core_parallel>, #tpu.dimension_semantics<subcore_parallel>], iteration_bounds = array<i64: 2, 16>, scalar_prefetch = 0 : i64, scratch_operands = 4 : i64, tpu.core_type = #tpu.core_type<sc_vector_subcore>, window_params = [{transform_indices = #map}, {transform_indices = #map}, {transform_indices = #map1}]} {
    %mul3A = arith.constant 2 : i32
    %mul3A_0 = arith.muli %arg1, %mul3A : i32
    %add3A = arith.addi %mul3A_0, %arg0 : i32
    %mul3A_1 = arith.constant 512 : i32
    %mul3A_2 = arith.muli %add3A, %mul3A_1 : i32
    "tpu.region"() ({
      %run_scoped3A = tpu.sem_alloc : memref<!tpu.dma_semaphore, #tpu.memory_space<semaphore_mem>>
      %dma_start3A_246 = arith.constant 0 : i32
      %dma_start3A_247 = tpu.memref_slice %arg2[%dma_start3A_246, %mul3A_2] : memref<26x16384xi32, #tpu.memory_space<hbm>> -> memref<26x512xi32, #tpu.memory_space<hbm>>
      %dma_start3A_248 = arith.constant 0 : i32
      %dma_start3A_249 = tpu.memref_slice %arg2[%dma_start3A_248, %mul3A_2] : memref<26x16384xi32, #tpu.memory_space<hbm>> -> memref<26x512xi32, #tpu.memory_space<hbm>>
      tpu.enqueue_dma source(%dma_start3A_249 : memref<26x512xi32, #tpu.memory_space<hbm>>) target(%arg5 : memref<26x512xi32, #tpu.memory_space<vmem>>) target_semaphore(%run_scoped3A : memref<!tpu.dma_semaphore, #tpu.memory_space<semaphore_mem>>)
      %dma_wait3A_250 = arith.constant 0 : i32
      %dma_wait3A_251 = tpu.memref_slice %arg2[%dma_wait3A_250, %mul3A_2] : memref<26x16384xi32, #tpu.memory_space<hbm>> -> memref<26x512xi32, #tpu.memory_space<hbm>>
      %dma_wait3A_252 = arith.constant 0 : i32
      %dma_wait3A_253 = tpu.memref_slice %arg2[%dma_wait3A_252, %mul3A_2] : memref<26x16384xi32, #tpu.memory_space<hbm>> -> memref<26x512xi32, #tpu.memory_space<hbm>>
      tpu.wait_dma2 semaphore(%run_scoped3A : memref<!tpu.dma_semaphore, #tpu.memory_space<semaphore_mem>>) src(%dma_wait3A_253 : memref<26x512xi32, #tpu.memory_space<hbm>>) dst(%arg5 : memref<26x512xi32, #tpu.memory_space<vmem>>)
      tpu.yield
    }) : () -> ()
    %dma_start3A = arith.constant 0 : i32
    %dma_start3A_3 = arith.constant 0 : i32
    %dma_start3A_4 = arith.constant 0 : i32
    %dma_start3A_5 = arith.constant 0 : i32
    %dma_start3A_6 = tpu.memref_slice %arg6[%dma_start3A_3, %dma_start3A_4, %dma_start3A_5] : memref<4x128x128xf32, #tpu.memory_space<vmem>> -> memref<1x128x128xf32, #tpu.memory_space<vmem>>
    %dma_start3A_7 = tpu.memref_squeeze %dma_start3A_6 : memref<1x128x128xf32, #tpu.memory_space<vmem>> -> memref<128x128xf32, #tpu.memory_space<vmem>>
    %dma_start3A_8 = arith.constant 0 : i32
    %dma_start3A_9 = tpu.memref_slice %arg5[%dma_start3A, %dma_start3A_8] : memref<26x512xi32, #tpu.memory_space<vmem>> -> memref<1x128xi32, #tpu.memory_space<vmem>>
    %dma_start3A_10 = tpu.memref_squeeze %dma_start3A_9 : memref<1x128xi32, #tpu.memory_space<vmem>> -> memref<128xi32, #tpu.memory_space<vmem>>
    %dma_start3A_11 = arith.constant 0 : i32
    %dma_start3A_12 = arith.constant 0 : i32
    %dma_start3A_13 = tpu.memref_slice %arg3[%dma_start3A_11, %dma_start3A_12] : memref<100000x128xf32, #tpu.memory_space<hbm>> -> memref<100000x128xf32, #tpu.memory_space<hbm>>
    tpu.enqueue_indirect_dma source(%dma_start3A_13 : memref<100000x128xf32, #tpu.memory_space<hbm>>) target(%dma_start3A_7 : memref<128x128xf32, #tpu.memory_space<vmem>>) offsets(%dma_start3A_10 : memref<128xi32, #tpu.memory_space<vmem>>) semaphore(%arg7 : memref<!tpu.dma_semaphore, #tpu.memory_space<semaphore_mem>>)
    %dma_start3A_14 = arith.constant 0 : i32
    %dma_start3A_15 = arith.constant 1 : i32
    %dma_start3A_16 = arith.constant 0 : i32
    %dma_start3A_17 = arith.constant 0 : i32
    %dma_start3A_18 = tpu.memref_slice %arg6[%dma_start3A_15, %dma_start3A_16, %dma_start3A_17] : memref<4x128x128xf32, #tpu.memory_space<vmem>> -> memref<1x128x128xf32, #tpu.memory_space<vmem>>
    %dma_start3A_19 = tpu.memref_squeeze %dma_start3A_18 : memref<1x128x128xf32, #tpu.memory_space<vmem>> -> memref<128x128xf32, #tpu.memory_space<vmem>>
    %dma_start3A_20 = arith.constant 128 : i32
    %dma_start3A_21 = tpu.memref_slice %arg5[%dma_start3A_14, %dma_start3A_20] : memref<26x512xi32, #tpu.memory_space<vmem>> -> memref<1x128xi32, #tpu.memory_space<vmem>>
    %dma_start3A_22 = tpu.memref_squeeze %dma_start3A_21 : memref<1x128xi32, #tpu.memory_space<vmem>> -> memref<128xi32, #tpu.memory_space<vmem>>
    %dma_start3A_23 = arith.constant 0 : i32
    %dma_start3A_24 = arith.constant 0 : i32
    %dma_start3A_25 = tpu.memref_slice %arg3[%dma_start3A_23, %dma_start3A_24] : memref<100000x128xf32, #tpu.memory_space<hbm>> -> memref<100000x128xf32, #tpu.memory_space<hbm>>
    tpu.enqueue_indirect_dma source(%dma_start3A_25 : memref<100000x128xf32, #tpu.memory_space<hbm>>) target(%dma_start3A_19 : memref<128x128xf32, #tpu.memory_space<vmem>>) offsets(%dma_start3A_22 : memref<128xi32, #tpu.memory_space<vmem>>) semaphore(%arg7 : memref<!tpu.dma_semaphore, #tpu.memory_space<semaphore_mem>>)
    %dma_start3A_26 = arith.constant 0 : i32
    %dma_start3A_27 = arith.constant 2 : i32
    %dma_start3A_28 = arith.constant 0 : i32
    %dma_start3A_29 = arith.constant 0 : i32
    %dma_start3A_30 = tpu.memref_slice %arg6[%dma_start3A_27, %dma_start3A_28, %dma_start3A_29] : memref<4x128x128xf32, #tpu.memory_space<vmem>> -> memref<1x128x128xf32, #tpu.memory_space<vmem>>
    %dma_start3A_31 = tpu.memref_squeeze %dma_start3A_30 : memref<1x128x128xf32, #tpu.memory_space<vmem>> -> memref<128x128xf32, #tpu.memory_space<vmem>>
    %dma_start3A_32 = arith.constant 256 : i32
    %dma_start3A_33 = tpu.memref_slice %arg5[%dma_start3A_26, %dma_start3A_32] : memref<26x512xi32, #tpu.memory_space<vmem>> -> memref<1x128xi32, #tpu.memory_space<vmem>>
    %dma_start3A_34 = tpu.memref_squeeze %dma_start3A_33 : memref<1x128xi32, #tpu.memory_space<vmem>> -> memref<128xi32, #tpu.memory_space<vmem>>
    %dma_start3A_35 = arith.constant 0 : i32
    %dma_start3A_36 = arith.constant 0 : i32
    %dma_start3A_37 = tpu.memref_slice %arg3[%dma_start3A_35, %dma_start3A_36] : memref<100000x128xf32, #tpu.memory_space<hbm>> -> memref<100000x128xf32, #tpu.memory_space<hbm>>
    tpu.enqueue_indirect_dma source(%dma_start3A_37 : memref<100000x128xf32, #tpu.memory_space<hbm>>) target(%dma_start3A_31 : memref<128x128xf32, #tpu.memory_space<vmem>>) offsets(%dma_start3A_34 : memref<128xi32, #tpu.memory_space<vmem>>) semaphore(%arg7 : memref<!tpu.dma_semaphore, #tpu.memory_space<semaphore_mem>>)
    %dma_start3A_38 = arith.constant 0 : i32
    %dma_start3A_39 = arith.constant 3 : i32
    %dma_start3A_40 = arith.constant 0 : i32
    %dma_start3A_41 = arith.constant 0 : i32
    %dma_start3A_42 = tpu.memref_slice %arg6[%dma_start3A_39, %dma_start3A_40, %dma_start3A_41] : memref<4x128x128xf32, #tpu.memory_space<vmem>> -> memref<1x128x128xf32, #tpu.memory_space<vmem>>
    %dma_start3A_43 = tpu.memref_squeeze %dma_start3A_42 : memref<1x128x128xf32, #tpu.memory_space<vmem>> -> memref<128x128xf32, #tpu.memory_space<vmem>>
    %dma_start3A_44 = arith.constant 384 : i32
    %dma_start3A_45 = tpu.memref_slice %arg5[%dma_start3A_38, %dma_start3A_44] : memref<26x512xi32, #tpu.memory_space<vmem>> -> memref<1x128xi32, #tpu.memory_space<vmem>>
    %dma_start3A_46 = tpu.memref_squeeze %dma_start3A_45 : memref<1x128xi32, #tpu.memory_space<vmem>> -> memref<128xi32, #tpu.memory_space<vmem>>
    %dma_start3A_47 = arith.constant 0 : i32
    %dma_start3A_48 = arith.constant 0 : i32
    %dma_start3A_49 = tpu.memref_slice %arg3[%dma_start3A_47, %dma_start3A_48] : memref<100000x128xf32, #tpu.memory_space<hbm>> -> memref<100000x128xf32, #tpu.memory_space<hbm>>
    tpu.enqueue_indirect_dma source(%dma_start3A_49 : memref<100000x128xf32, #tpu.memory_space<hbm>>) target(%dma_start3A_43 : memref<128x128xf32, #tpu.memory_space<vmem>>) offsets(%dma_start3A_46 : memref<128xi32, #tpu.memory_space<vmem>>) semaphore(%arg7 : memref<!tpu.dma_semaphore, #tpu.memory_space<semaphore_mem>>)
    %dma_wait3A = arith.constant 0 : i32
    %dma_wait3A_50 = arith.constant 0 : i32
    %dma_wait3A_51 = arith.constant 0 : i32
    %dma_wait3A_52 = arith.constant 0 : i32
    %dma_wait3A_53 = tpu.memref_slice %arg6[%dma_wait3A_50, %dma_wait3A_51, %dma_wait3A_52] : memref<4x128x128xf32, #tpu.memory_space<vmem>> -> memref<1x128x128xf32, #tpu.memory_space<vmem>>
    %dma_wait3A_54 = tpu.memref_squeeze %dma_wait3A_53 : memref<1x128x128xf32, #tpu.memory_space<vmem>> -> memref<128x128xf32, #tpu.memory_space<vmem>>
    %dma_wait3A_55 = arith.constant 0 : i32
    %dma_wait3A_56 = tpu.memref_slice %arg5[%dma_wait3A, %dma_wait3A_55] : memref<26x512xi32, #tpu.memory_space<vmem>> -> memref<1x128xi32, #tpu.memory_space<vmem>>
    %dma_wait3A_57 = tpu.memref_squeeze %dma_wait3A_56 : memref<1x128xi32, #tpu.memory_space<vmem>> -> memref<128xi32, #tpu.memory_space<vmem>>
    %dma_wait3A_58 = arith.constant 0 : i32
    %dma_wait3A_59 = arith.constant 0 : i32
    %dma_wait3A_60 = tpu.memref_slice %arg3[%dma_wait3A_58, %dma_wait3A_59] : memref<100000x128xf32, #tpu.memory_space<hbm>> -> memref<100000x128xf32, #tpu.memory_space<hbm>>
    tpu.wait_indirect_dma semaphore(%arg7 : memref<!tpu.dma_semaphore, #tpu.memory_space<semaphore_mem>>) src(%dma_wait3A_60 : memref<100000x128xf32, #tpu.memory_space<hbm>>) dst(%dma_wait3A_54 : memref<128x128xf32, #tpu.memory_space<vmem>>)
    %add3A_61 = arith.constant 0 : i32
    %add3A_62 = arith.addi %mul3A_2, %add3A_61 : i32
    %dma_start3A_63 = arith.constant 0 : i32
    %dma_start3A_64 = arith.constant 0 : i32
    %dma_start3A_65 = arith.constant 0 : i32
    %dma_start3A_66 = arith.constant 0 : i32
    %dma_start3A_67 = tpu.memref_slice %arg6[%dma_start3A_63, %dma_start3A_65, %dma_start3A_66] : memref<4x128x128xf32, #tpu.memory_space<vmem>> -> memref<1x128x128xf32, #tpu.memory_space<vmem>>
    %dma_start3A_68 = tpu.memref_squeeze %dma_start3A_67 : memref<1x128x128xf32, #tpu.memory_space<vmem>> -> memref<128x128xf32, #tpu.memory_space<vmem>>
    %dma_start3A_69 = arith.constant 0 : i32
    %dma_start3A_70 = tpu.memref_slice %arg4[%dma_start3A_64, %add3A_62, %dma_start3A_69] : memref<26x16384x128xf32, #tpu.memory_space<hbm>> -> memref<1x128x128xf32, #tpu.memory_space<hbm>>
    %dma_start3A_71 = tpu.memref_squeeze %dma_start3A_70 : memref<1x128x128xf32, #tpu.memory_space<hbm>> -> memref<128x128xf32, #tpu.memory_space<hbm>>
    %dma_start3A_72 = arith.constant 0 : i32
    %dma_start3A_73 = tpu.memref_slice %arg4[%dma_start3A_64, %add3A_62, %dma_start3A_72] : memref<26x16384x128xf32, #tpu.memory_space<hbm>> -> memref<1x128x128xf32, #tpu.memory_space<hbm>>
    %dma_start3A_74 = tpu.memref_squeeze %dma_start3A_73 : memref<1x128x128xf32, #tpu.memory_space<hbm>> -> memref<128x128xf32, #tpu.memory_space<hbm>>
    %dma_start3A_75 = arith.constant 0 : i32
    %dma_start3A_76 = arith.constant 0 : i32
    %dma_start3A_77 = tpu.memref_slice %arg6[%dma_start3A_63, %dma_start3A_75, %dma_start3A_76] : memref<4x128x128xf32, #tpu.memory_space<vmem>> -> memref<1x128x128xf32, #tpu.memory_space<vmem>>
    %dma_start3A_78 = tpu.memref_squeeze %dma_start3A_77 : memref<1x128x128xf32, #tpu.memory_space<vmem>> -> memref<128x128xf32, #tpu.memory_space<vmem>>
    tpu.enqueue_dma source(%dma_start3A_78 : memref<128x128xf32, #tpu.memory_space<vmem>>) target(%dma_start3A_74 : memref<128x128xf32, #tpu.memory_space<hbm>>) target_semaphore(%arg8 : memref<!tpu.dma_semaphore, #tpu.memory_space<semaphore_mem>>)
    %dma_wait3A_79 = arith.constant 0 : i32
    %dma_wait3A_80 = arith.constant 1 : i32
    %dma_wait3A_81 = arith.constant 0 : i32
    %dma_wait3A_82 = arith.constant 0 : i32
    %dma_wait3A_83 = tpu.memref_slice %arg6[%dma_wait3A_80, %dma_wait3A_81, %dma_wait3A_82] : memref<4x128x128xf32, #tpu.memory_space<vmem>> -> memref<1x128x128xf32, #tpu.memory_space<vmem>>
    %dma_wait3A_84 = tpu.memref_squeeze %dma_wait3A_83 : memref<1x128x128xf32, #tpu.memory_space<vmem>> -> memref<128x128xf32, #tpu.memory_space<vmem>>
    %dma_wait3A_85 = arith.constant 128 : i32
    %dma_wait3A_86 = tpu.memref_slice %arg5[%dma_wait3A_79, %dma_wait3A_85] : memref<26x512xi32, #tpu.memory_space<vmem>> -> memref<1x128xi32, #tpu.memory_space<vmem>>
    %dma_wait3A_87 = tpu.memref_squeeze %dma_wait3A_86 : memref<1x128xi32, #tpu.memory_space<vmem>> -> memref<128xi32, #tpu.memory_space<vmem>>
    %dma_wait3A_88 = arith.constant 0 : i32
    %dma_wait3A_89 = arith.constant 0 : i32
    %dma_wait3A_90 = tpu.memref_slice %arg3[%dma_wait3A_88, %dma_wait3A_89] : memref<100000x128xf32, #tpu.memory_space<hbm>> -> memref<100000x128xf32, #tpu.memory_space<hbm>>
    tpu.wait_indirect_dma semaphore(%arg7 : memref<!tpu.dma_semaphore, #tpu.memory_space<semaphore_mem>>) src(%dma_wait3A_90 : memref<100000x128xf32, #tpu.memory_space<hbm>>) dst(%dma_wait3A_84 : memref<128x128xf32, #tpu.memory_space<vmem>>)
    %add3A_91 = arith.constant 128 : i32
    %add3A_92 = arith.addi %mul3A_2, %add3A_91 : i32
    %dma_start3A_93 = arith.constant 1 : i32
    %dma_start3A_94 = arith.constant 0 : i32
    %dma_start3A_95 = arith.constant 0 : i32
    %dma_start3A_96 = arith.constant 0 : i32
    %dma_start3A_97 = tpu.memref_slice %arg6[%dma_start3A_93, %dma_start3A_95, %dma_start3A_96] : memref<4x128x128xf32, #tpu.memory_space<vmem>> -> memref<1x128x128xf32, #tpu.memory_space<vmem>>
    %dma_start3A_98 = tpu.memref_squeeze %dma_start3A_97 : memref<1x128x128xf32, #tpu.memory_space<vmem>> -> memref<128x128xf32, #tpu.memory_space<vmem>>
    %dma_start3A_99 = arith.constant 0 : i32
    %dma_start3A_100 = tpu.memref_slice %arg4[%dma_start3A_94, %add3A_92, %dma_start3A_99] : memref<26x16384x128xf32, #tpu.memory_space<hbm>> -> memref<1x128x128xf32, #tpu.memory_space<hbm>>
    %dma_start3A_101 = tpu.memref_squeeze %dma_start3A_100 : memref<1x128x128xf32, #tpu.memory_space<hbm>> -> memref<128x128xf32, #tpu.memory_space<hbm>>
    %dma_start3A_102 = arith.constant 0 : i32
    %dma_start3A_103 = tpu.memref_slice %arg4[%dma_start3A_94, %add3A_92, %dma_start3A_102] : memref<26x16384x128xf32, #tpu.memory_space<hbm>> -> memref<1x128x128xf32, #tpu.memory_space<hbm>>
    %dma_start3A_104 = tpu.memref_squeeze %dma_start3A_103 : memref<1x128x128xf32, #tpu.memory_space<hbm>> -> memref<128x128xf32, #tpu.memory_space<hbm>>
    %dma_start3A_105 = arith.constant 0 : i32
    %dma_start3A_106 = arith.constant 0 : i32
    %dma_start3A_107 = tpu.memref_slice %arg6[%dma_start3A_93, %dma_start3A_105, %dma_start3A_106] : memref<4x128x128xf32, #tpu.memory_space<vmem>> -> memref<1x128x128xf32, #tpu.memory_space<vmem>>
    %dma_start3A_108 = tpu.memref_squeeze %dma_start3A_107 : memref<1x128x128xf32, #tpu.memory_space<vmem>> -> memref<128x128xf32, #tpu.memory_space<vmem>>
    tpu.enqueue_dma source(%dma_start3A_108 : memref<128x128xf32, #tpu.memory_space<vmem>>) target(%dma_start3A_104 : memref<128x128xf32, #tpu.memory_space<hbm>>) target_semaphore(%arg8 : memref<!tpu.dma_semaphore, #tpu.memory_space<semaphore_mem>>)
    %dma_wait3A_109 = arith.constant 0 : i32
    %dma_wait3A_110 = arith.constant 2 : i32
    %dma_wait3A_111 = arith.constant 0 : i32
    %dma_wait3A_112 = arith.constant 0 : i32
    %dma_wait3A_113 = tpu.memref_slice %arg6[%dma_wait3A_110, %dma_wait3A_111, %dma_wait3A_112] : memref<4x128x128xf32, #tpu.memory_space<vmem>> -> memref<1x128x128xf32, #tpu.memory_space<vmem>>
    %dma_wait3A_114 = tpu.memref_squeeze %dma_wait3A_113 : memref<1x128x128xf32, #tpu.memory_space<vmem>> -> memref<128x128xf32, #tpu.memory_space<vmem>>
    %dma_wait3A_115 = arith.constant 256 : i32
    %dma_wait3A_116 = tpu.memref_slice %arg5[%dma_wait3A_109, %dma_wait3A_115] : memref<26x512xi32, #tpu.memory_space<vmem>> -> memref<1x128xi32, #tpu.memory_space<vmem>>
    %dma_wait3A_117 = tpu.memref_squeeze %dma_wait3A_116 : memref<1x128xi32, #tpu.memory_space<vmem>> -> memref<128xi32, #tpu.memory_space<vmem>>
    %dma_wait3A_118 = arith.constant 0 : i32
    %dma_wait3A_119 = arith.constant 0 : i32
    %dma_wait3A_120 = tpu.memref_slice %arg3[%dma_wait3A_118, %dma_wait3A_119] : memref<100000x128xf32, #tpu.memory_space<hbm>> -> memref<100000x128xf32, #tpu.memory_space<hbm>>
    tpu.wait_indirect_dma semaphore(%arg7 : memref<!tpu.dma_semaphore, #tpu.memory_space<semaphore_mem>>) src(%dma_wait3A_120 : memref<100000x128xf32, #tpu.memory_space<hbm>>) dst(%dma_wait3A_114 : memref<128x128xf32, #tpu.memory_space<vmem>>)
    %add3A_121 = arith.constant 256 : i32
    %add3A_122 = arith.addi %mul3A_2, %add3A_121 : i32
    %dma_start3A_123 = arith.constant 2 : i32
    %dma_start3A_124 = arith.constant 0 : i32
    %dma_start3A_125 = arith.constant 0 : i32
    %dma_start3A_126 = arith.constant 0 : i32
    %dma_start3A_127 = tpu.memref_slice %arg6[%dma_start3A_123, %dma_start3A_125, %dma_start3A_126] : memref<4x128x128xf32, #tpu.memory_space<vmem>> -> memref<1x128x128xf32, #tpu.memory_space<vmem>>
    %dma_start3A_128 = tpu.memref_squeeze %dma_start3A_127 : memref<1x128x128xf32, #tpu.memory_space<vmem>> -> memref<128x128xf32, #tpu.memory_space<vmem>>
    %dma_start3A_129 = arith.constant 0 : i32
    %dma_start3A_130 = tpu.memref_slice %arg4[%dma_start3A_124, %add3A_122, %dma_start3A_129] : memref<26x16384x128xf32, #tpu.memory_space<hbm>> -> memref<1x128x128xf32, #tpu.memory_space<hbm>>
    %dma_start3A_131 = tpu.memref_squeeze %dma_start3A_130 : memref<1x128x128xf32, #tpu.memory_space<hbm>> -> memref<128x128xf32, #tpu.memory_space<hbm>>
    %dma_start3A_132 = arith.constant 0 : i32
    %dma_start3A_133 = tpu.memref_slice %arg4[%dma_start3A_124, %add3A_122, %dma_start3A_132] : memref<26x16384x128xf32, #tpu.memory_space<hbm>> -> memref<1x128x128xf32, #tpu.memory_space<hbm>>
    %dma_start3A_134 = tpu.memref_squeeze %dma_start3A_133 : memref<1x128x128xf32, #tpu.memory_space<hbm>> -> memref<128x128xf32, #tpu.memory_space<hbm>>
    %dma_start3A_135 = arith.constant 0 : i32
    %dma_start3A_136 = arith.constant 0 : i32
    %dma_start3A_137 = tpu.memref_slice %arg6[%dma_start3A_123, %dma_start3A_135, %dma_start3A_136] : memref<4x128x128xf32, #tpu.memory_space<vmem>> -> memref<1x128x128xf32, #tpu.memory_space<vmem>>
    %dma_start3A_138 = tpu.memref_squeeze %dma_start3A_137 : memref<1x128x128xf32, #tpu.memory_space<vmem>> -> memref<128x128xf32, #tpu.memory_space<vmem>>
    tpu.enqueue_dma source(%dma_start3A_138 : memref<128x128xf32, #tpu.memory_space<vmem>>) target(%dma_start3A_134 : memref<128x128xf32, #tpu.memory_space<hbm>>) target_semaphore(%arg8 : memref<!tpu.dma_semaphore, #tpu.memory_space<semaphore_mem>>)
    %dma_wait3A_139 = arith.constant 0 : i32
    %dma_wait3A_140 = arith.constant 3 : i32
    %dma_wait3A_141 = arith.constant 0 : i32
    %dma_wait3A_142 = arith.constant 0 : i32
    %dma_wait3A_143 = tpu.memref_slice %arg6[%dma_wait3A_140, %dma_wait3A_141, %dma_wait3A_142] : memref<4x128x128xf32, #tpu.memory_space<vmem>> -> memref<1x128x128xf32, #tpu.memory_space<vmem>>
    %dma_wait3A_144 = tpu.memref_squeeze %dma_wait3A_143 : memref<1x128x128xf32, #tpu.memory_space<vmem>> -> memref<128x128xf32, #tpu.memory_space<vmem>>
    %dma_wait3A_145 = arith.constant 384 : i32
    %dma_wait3A_146 = tpu.memref_slice %arg5[%dma_wait3A_139, %dma_wait3A_145] : memref<26x512xi32, #tpu.memory_space<vmem>> -> memref<1x128xi32, #tpu.memory_space<vmem>>
    %dma_wait3A_147 = tpu.memref_squeeze %dma_wait3A_146 : memref<1x128xi32, #tpu.memory_space<vmem>> -> memref<128xi32, #tpu.memory_space<vmem>>
    %dma_wait3A_148 = arith.constant 0 : i32
    %dma_wait3A_149 = arith.constant 0 : i32
    %dma_wait3A_150 = tpu.memref_slice %arg3[%dma_wait3A_148, %dma_wait3A_149] : memref<100000x128xf32, #tpu.memory_space<hbm>> -> memref<100000x128xf32, #tpu.memory_space<hbm>>
    tpu.wait_indirect_dma semaphore(%arg7 : memref<!tpu.dma_semaphore, #tpu.memory_space<semaphore_mem>>) src(%dma_wait3A_150 : memref<100000x128xf32, #tpu.memory_space<hbm>>) dst(%dma_wait3A_144 : memref<128x128xf32, #tpu.memory_space<vmem>>)
    %add3A_151 = arith.constant 384 : i32
    %add3A_152 = arith.addi %mul3A_2, %add3A_151 : i32
    %dma_start3A_153 = arith.constant 3 : i32
    %dma_start3A_154 = arith.constant 0 : i32
    %dma_start3A_155 = arith.constant 0 : i32
    %dma_start3A_156 = arith.constant 0 : i32
    %dma_start3A_157 = tpu.memref_slice %arg6[%dma_start3A_153, %dma_start3A_155, %dma_start3A_156] : memref<4x128x128xf32, #tpu.memory_space<vmem>> -> memref<1x128x128xf32, #tpu.memory_space<vmem>>
    %dma_start3A_158 = tpu.memref_squeeze %dma_start3A_157 : memref<1x128x128xf32, #tpu.memory_space<vmem>> -> memref<128x128xf32, #tpu.memory_space<vmem>>
    %dma_start3A_159 = arith.constant 0 : i32
    %dma_start3A_160 = tpu.memref_slice %arg4[%dma_start3A_154, %add3A_152, %dma_start3A_159] : memref<26x16384x128xf32, #tpu.memory_space<hbm>> -> memref<1x128x128xf32, #tpu.memory_space<hbm>>
    %dma_start3A_161 = tpu.memref_squeeze %dma_start3A_160 : memref<1x128x128xf32, #tpu.memory_space<hbm>> -> memref<128x128xf32, #tpu.memory_space<hbm>>
    %dma_start3A_162 = arith.constant 0 : i32
    %dma_start3A_163 = tpu.memref_slice %arg4[%dma_start3A_154, %add3A_152, %dma_start3A_162] : memref<26x16384x128xf32, #tpu.memory_space<hbm>> -> memref<1x128x128xf32, #tpu.memory_space<hbm>>
    %dma_start3A_164 = tpu.memref_squeeze %dma_start3A_163 : memref<1x128x128xf32, #tpu.memory_space<hbm>> -> memref<128x128xf32, #tpu.memory_space<hbm>>
    %dma_start3A_165 = arith.constant 0 : i32
    %dma_start3A_166 = arith.constant 0 : i32
    %dma_start3A_167 = tpu.memref_slice %arg6[%dma_start3A_153, %dma_start3A_165, %dma_start3A_166] : memref<4x128x128xf32, #tpu.memory_space<vmem>> -> memref<1x128x128xf32, #tpu.memory_space<vmem>>
    %dma_start3A_168 = tpu.memref_squeeze %dma_start3A_167 : memref<1x128x128xf32, #tpu.memory_space<vmem>> -> memref<128x128xf32, #tpu.memory_space<vmem>>
    tpu.enqueue_dma source(%dma_start3A_168 : memref<128x128xf32, #tpu.memory_space<vmem>>) target(%dma_start3A_164 : memref<128x128xf32, #tpu.memory_space<hbm>>) target_semaphore(%arg8 : memref<!tpu.dma_semaphore, #tpu.memory_space<semaphore_mem>>)
    %scan3A = arith.constant 0 : i32
    %scan3A_169 = arith.constant 1 : i32
    %scan3A_170 = arith.constant 25 : i32
    %scan3A_171 = arith.addi %scan3A_169, %scan3A_170 : i32
    %scan3A_172 = arith.constant 1 : i32
    scf.for %scan3A_246 = %scan3A_169 to %scan3A_171 step %scan3A_172  : i32 {
      %sub3A = arith.constant 1 : i32
      %sub3A_247 = arith.subi %scan3A_246, %sub3A : i32
      %add3A_248 = arith.constant 0 : i32
      %add3A_249 = arith.addi %mul3A_2, %add3A_248 : i32
      %dma_wait3A_250 = arith.constant 0 : i32
      %dma_wait3A_251 = arith.constant 0 : i32
      %dma_wait3A_252 = arith.constant 0 : i32
      %dma_wait3A_253 = tpu.memref_slice %arg6[%dma_wait3A_250, %dma_wait3A_251, %dma_wait3A_252] : memref<4x128x128xf32, #tpu.memory_space<vmem>> -> memref<1x128x128xf32, #tpu.memory_space<vmem>>
      %dma_wait3A_254 = tpu.memref_squeeze %dma_wait3A_253 : memref<1x128x128xf32, #tpu.memory_space<vmem>> -> memref<128x128xf32, #tpu.memory_space<vmem>>
      %dma_wait3A_255 = arith.constant 0 : i32
      %dma_wait3A_256 = tpu.memref_slice %arg4[%sub3A_247, %add3A_249, %dma_wait3A_255] : memref<26x16384x128xf32, #tpu.memory_space<hbm>> -> memref<1x128x128xf32, #tpu.memory_space<hbm>>
      %dma_wait3A_257 = tpu.memref_squeeze %dma_wait3A_256 : memref<1x128x128xf32, #tpu.memory_space<hbm>> -> memref<128x128xf32, #tpu.memory_space<hbm>>
      %dma_wait3A_258 = arith.constant 0 : i32
      %dma_wait3A_259 = tpu.memref_slice %arg4[%sub3A_247, %add3A_249, %dma_wait3A_258] : memref<26x16384x128xf32, #tpu.memory_space<hbm>> -> memref<1x128x128xf32, #tpu.memory_space<hbm>>
      %dma_wait3A_260 = tpu.memref_squeeze %dma_wait3A_259 : memref<1x128x128xf32, #tpu.memory_space<hbm>> -> memref<128x128xf32, #tpu.memory_space<hbm>>
      %dma_wait3A_261 = arith.constant 0 : i32
      %dma_wait3A_262 = arith.constant 0 : i32
      %dma_wait3A_263 = tpu.memref_slice %arg6[%dma_wait3A_250, %dma_wait3A_261, %dma_wait3A_262] : memref<4x128x128xf32, #tpu.memory_space<vmem>> -> memref<1x128x128xf32, #tpu.memory_space<vmem>>
      %dma_wait3A_264 = tpu.memref_squeeze %dma_wait3A_263 : memref<1x128x128xf32, #tpu.memory_space<vmem>> -> memref<128x128xf32, #tpu.memory_space<vmem>>
      tpu.wait_dma2 semaphore(%arg8 : memref<!tpu.dma_semaphore, #tpu.memory_space<semaphore_mem>>) src(%dma_wait3A_264 : memref<128x128xf32, #tpu.memory_space<vmem>>) dst(%dma_wait3A_260 : memref<128x128xf32, #tpu.memory_space<hbm>>)
      %dma_start3A_265 = arith.constant 0 : i32
      %dma_start3A_266 = arith.constant 0 : i32
      %dma_start3A_267 = arith.constant 0 : i32
      %dma_start3A_268 = tpu.memref_slice %arg6[%dma_start3A_265, %dma_start3A_266, %dma_start3A_267] : memref<4x128x128xf32, #tpu.memory_space<vmem>> -> memref<1x128x128xf32, #tpu.memory_space<vmem>>
      %dma_start3A_269 = tpu.memref_squeeze %dma_start3A_268 : memref<1x128x128xf32, #tpu.memory_space<vmem>> -> memref<128x128xf32, #tpu.memory_space<vmem>>
      %dma_start3A_270 = arith.constant 0 : i32
      %dma_start3A_271 = tpu.memref_slice %arg5[%scan3A_246, %dma_start3A_270] : memref<26x512xi32, #tpu.memory_space<vmem>> -> memref<1x128xi32, #tpu.memory_space<vmem>>
      %dma_start3A_272 = tpu.memref_squeeze %dma_start3A_271 : memref<1x128xi32, #tpu.memory_space<vmem>> -> memref<128xi32, #tpu.memory_space<vmem>>
      %dma_start3A_273 = arith.constant 0 : i32
      %dma_start3A_274 = arith.constant 0 : i32
      %dma_start3A_275 = tpu.memref_slice %arg3[%dma_start3A_273, %dma_start3A_274] : memref<100000x128xf32, #tpu.memory_space<hbm>> -> memref<100000x128xf32, #tpu.memory_space<hbm>>
      tpu.enqueue_indirect_dma source(%dma_start3A_275 : memref<100000x128xf32, #tpu.memory_space<hbm>>) target(%dma_start3A_269 : memref<128x128xf32, #tpu.memory_space<vmem>>) offsets(%dma_start3A_272 : memref<128xi32, #tpu.memory_space<vmem>>) semaphore(%arg7 : memref<!tpu.dma_semaphore, #tpu.memory_space<semaphore_mem>>)
      %sub3A_276 = arith.constant 1 : i32
      %sub3A_277 = arith.subi %scan3A_246, %sub3A_276 : i32
      %add3A_278 = arith.constant 128 : i32
      %add3A_279 = arith.addi %mul3A_2, %add3A_278 : i32
      %dma_wait3A_280 = arith.constant 1 : i32
      %dma_wait3A_281 = arith.constant 0 : i32
      %dma_wait3A_282 = arith.constant 0 : i32
      %dma_wait3A_283 = tpu.memref_slice %arg6[%dma_wait3A_280, %dma_wait3A_281, %dma_wait3A_282] : memref<4x128x128xf32, #tpu.memory_space<vmem>> -> memref<1x128x128xf32, #tpu.memory_space<vmem>>
      %dma_wait3A_284 = tpu.memref_squeeze %dma_wait3A_283 : memref<1x128x128xf32, #tpu.memory_space<vmem>> -> memref<128x128xf32, #tpu.memory_space<vmem>>
      %dma_wait3A_285 = arith.constant 0 : i32
      %dma_wait3A_286 = tpu.memref_slice %arg4[%sub3A_277, %add3A_279, %dma_wait3A_285] : memref<26x16384x128xf32, #tpu.memory_space<hbm>> -> memref<1x128x128xf32, #tpu.memory_space<hbm>>
      %dma_wait3A_287 = tpu.memref_squeeze %dma_wait3A_286 : memref<1x128x128xf32, #tpu.memory_space<hbm>> -> memref<128x128xf32, #tpu.memory_space<hbm>>
      %dma_wait3A_288 = arith.constant 0 : i32
      %dma_wait3A_289 = tpu.memref_slice %arg4[%sub3A_277, %add3A_279, %dma_wait3A_288] : memref<26x16384x128xf32, #tpu.memory_space<hbm>> -> memref<1x128x128xf32, #tpu.memory_space<hbm>>
      %dma_wait3A_290 = tpu.memref_squeeze %dma_wait3A_289 : memref<1x128x128xf32, #tpu.memory_space<hbm>> -> memref<128x128xf32, #tpu.memory_space<hbm>>
      %dma_wait3A_291 = arith.constant 0 : i32
      %dma_wait3A_292 = arith.constant 0 : i32
      %dma_wait3A_293 = tpu.memref_slice %arg6[%dma_wait3A_280, %dma_wait3A_291, %dma_wait3A_292] : memref<4x128x128xf32, #tpu.memory_space<vmem>> -> memref<1x128x128xf32, #tpu.memory_space<vmem>>
      %dma_wait3A_294 = tpu.memref_squeeze %dma_wait3A_293 : memref<1x128x128xf32, #tpu.memory_space<vmem>> -> memref<128x128xf32, #tpu.memory_space<vmem>>
      tpu.wait_dma2 semaphore(%arg8 : memref<!tpu.dma_semaphore, #tpu.memory_space<semaphore_mem>>) src(%dma_wait3A_294 : memref<128x128xf32, #tpu.memory_space<vmem>>) dst(%dma_wait3A_290 : memref<128x128xf32, #tpu.memory_space<hbm>>)
      %dma_start3A_295 = arith.constant 1 : i32
      %dma_start3A_296 = arith.constant 0 : i32
      %dma_start3A_297 = arith.constant 0 : i32
      %dma_start3A_298 = tpu.memref_slice %arg6[%dma_start3A_295, %dma_start3A_296, %dma_start3A_297] : memref<4x128x128xf32, #tpu.memory_space<vmem>> -> memref<1x128x128xf32, #tpu.memory_space<vmem>>
      %dma_start3A_299 = tpu.memref_squeeze %dma_start3A_298 : memref<1x128x128xf32, #tpu.memory_space<vmem>> -> memref<128x128xf32, #tpu.memory_space<vmem>>
      %dma_start3A_300 = arith.constant 128 : i32
      %dma_start3A_301 = tpu.memref_slice %arg5[%scan3A_246, %dma_start3A_300] : memref<26x512xi32, #tpu.memory_space<vmem>> -> memref<1x128xi32, #tpu.memory_space<vmem>>
      %dma_start3A_302 = tpu.memref_squeeze %dma_start3A_301 : memref<1x128xi32, #tpu.memory_space<vmem>> -> memref<128xi32, #tpu.memory_space<vmem>>
      %dma_start3A_303 = arith.constant 0 : i32
      %dma_start3A_304 = arith.constant 0 : i32
      %dma_start3A_305 = tpu.memref_slice %arg3[%dma_start3A_303, %dma_start3A_304] : memref<100000x128xf32, #tpu.memory_space<hbm>> -> memref<100000x128xf32, #tpu.memory_space<hbm>>
      tpu.enqueue_indirect_dma source(%dma_start3A_305 : memref<100000x128xf32, #tpu.memory_space<hbm>>) target(%dma_start3A_299 : memref<128x128xf32, #tpu.memory_space<vmem>>) offsets(%dma_start3A_302 : memref<128xi32, #tpu.memory_space<vmem>>) semaphore(%arg7 : memref<!tpu.dma_semaphore, #tpu.memory_space<semaphore_mem>>)
      %sub3A_306 = arith.constant 1 : i32
      %sub3A_307 = arith.subi %scan3A_246, %sub3A_306 : i32
      %add3A_308 = arith.constant 256 : i32
      %add3A_309 = arith.addi %mul3A_2, %add3A_308 : i32
      %dma_wait3A_310 = arith.constant 2 : i32
      %dma_wait3A_311 = arith.constant 0 : i32
      %dma_wait3A_312 = arith.constant 0 : i32
      %dma_wait3A_313 = tpu.memref_slice %arg6[%dma_wait3A_310, %dma_wait3A_311, %dma_wait3A_312] : memref<4x128x128xf32, #tpu.memory_space<vmem>> -> memref<1x128x128xf32, #tpu.memory_space<vmem>>
      %dma_wait3A_314 = tpu.memref_squeeze %dma_wait3A_313 : memref<1x128x128xf32, #tpu.memory_space<vmem>> -> memref<128x128xf32, #tpu.memory_space<vmem>>
      %dma_wait3A_315 = arith.constant 0 : i32
      %dma_wait3A_316 = tpu.memref_slice %arg4[%sub3A_307, %add3A_309, %dma_wait3A_315] : memref<26x16384x128xf32, #tpu.memory_space<hbm>> -> memref<1x128x128xf32, #tpu.memory_space<hbm>>
      %dma_wait3A_317 = tpu.memref_squeeze %dma_wait3A_316 : memref<1x128x128xf32, #tpu.memory_space<hbm>> -> memref<128x128xf32, #tpu.memory_space<hbm>>
      %dma_wait3A_318 = arith.constant 0 : i32
      %dma_wait3A_319 = tpu.memref_slice %arg4[%sub3A_307, %add3A_309, %dma_wait3A_318] : memref<26x16384x128xf32, #tpu.memory_space<hbm>> -> memref<1x128x128xf32, #tpu.memory_space<hbm>>
      %dma_wait3A_320 = tpu.memref_squeeze %dma_wait3A_319 : memref<1x128x128xf32, #tpu.memory_space<hbm>> -> memref<128x128xf32, #tpu.memory_space<hbm>>
      %dma_wait3A_321 = arith.constant 0 : i32
      %dma_wait3A_322 = arith.constant 0 : i32
      %dma_wait3A_323 = tpu.memref_slice %arg6[%dma_wait3A_310, %dma_wait3A_321, %dma_wait3A_322] : memref<4x128x128xf32, #tpu.memory_space<vmem>> -> memref<1x128x128xf32, #tpu.memory_space<vmem>>
      %dma_wait3A_324 = tpu.memref_squeeze %dma_wait3A_323 : memref<1x128x128xf32, #tpu.memory_space<vmem>> -> memref<128x128xf32, #tpu.memory_space<vmem>>
      tpu.wait_dma2 semaphore(%arg8 : memref<!tpu.dma_semaphore, #tpu.memory_space<semaphore_mem>>) src(%dma_wait3A_324 : memref<128x128xf32, #tpu.memory_space<vmem>>) dst(%dma_wait3A_320 : memref<128x128xf32, #tpu.memory_space<hbm>>)
      %dma_start3A_325 = arith.constant 2 : i32
      %dma_start3A_326 = arith.constant 0 : i32
      %dma_start3A_327 = arith.constant 0 : i32
      %dma_start3A_328 = tpu.memref_slice %arg6[%dma_start3A_325, %dma_start3A_326, %dma_start3A_327] : memref<4x128x128xf32, #tpu.memory_space<vmem>> -> memref<1x128x128xf32, #tpu.memory_space<vmem>>
      %dma_start3A_329 = tpu.memref_squeeze %dma_start3A_328 : memref<1x128x128xf32, #tpu.memory_space<vmem>> -> memref<128x128xf32, #tpu.memory_space<vmem>>
      %dma_start3A_330 = arith.constant 256 : i32
      %dma_start3A_331 = tpu.memref_slice %arg5[%scan3A_246, %dma_start3A_330] : memref<26x512xi32, #tpu.memory_space<vmem>> -> memref<1x128xi32, #tpu.memory_space<vmem>>
      %dma_start3A_332 = tpu.memref_squeeze %dma_start3A_331 : memref<1x128xi32, #tpu.memory_space<vmem>> -> memref<128xi32, #tpu.memory_space<vmem>>
      %dma_start3A_333 = arith.constant 0 : i32
      %dma_start3A_334 = arith.constant 0 : i32
      %dma_start3A_335 = tpu.memref_slice %arg3[%dma_start3A_333, %dma_start3A_334] : memref<100000x128xf32, #tpu.memory_space<hbm>> -> memref<100000x128xf32, #tpu.memory_space<hbm>>
      tpu.enqueue_indirect_dma source(%dma_start3A_335 : memref<100000x128xf32, #tpu.memory_space<hbm>>) target(%dma_start3A_329 : memref<128x128xf32, #tpu.memory_space<vmem>>) offsets(%dma_start3A_332 : memref<128xi32, #tpu.memory_space<vmem>>) semaphore(%arg7 : memref<!tpu.dma_semaphore, #tpu.memory_space<semaphore_mem>>)
      %sub3A_336 = arith.constant 1 : i32
      %sub3A_337 = arith.subi %scan3A_246, %sub3A_336 : i32
      %add3A_338 = arith.constant 384 : i32
      %add3A_339 = arith.addi %mul3A_2, %add3A_338 : i32
      %dma_wait3A_340 = arith.constant 3 : i32
      %dma_wait3A_341 = arith.constant 0 : i32
      %dma_wait3A_342 = arith.constant 0 : i32
      %dma_wait3A_343 = tpu.memref_slice %arg6[%dma_wait3A_340, %dma_wait3A_341, %dma_wait3A_342] : memref<4x128x128xf32, #tpu.memory_space<vmem>> -> memref<1x128x128xf32, #tpu.memory_space<vmem>>
      %dma_wait3A_344 = tpu.memref_squeeze %dma_wait3A_343 : memref<1x128x128xf32, #tpu.memory_space<vmem>> -> memref<128x128xf32, #tpu.memory_space<vmem>>
      %dma_wait3A_345 = arith.constant 0 : i32
      %dma_wait3A_346 = tpu.memref_slice %arg4[%sub3A_337, %add3A_339, %dma_wait3A_345] : memref<26x16384x128xf32, #tpu.memory_space<hbm>> -> memref<1x128x128xf32, #tpu.memory_space<hbm>>
      %dma_wait3A_347 = tpu.memref_squeeze %dma_wait3A_346 : memref<1x128x128xf32, #tpu.memory_space<hbm>> -> memref<128x128xf32, #tpu.memory_space<hbm>>
      %dma_wait3A_348 = arith.constant 0 : i32
      %dma_wait3A_349 = tpu.memref_slice %arg4[%sub3A_337, %add3A_339, %dma_wait3A_348] : memref<26x16384x128xf32, #tpu.memory_space<hbm>> -> memref<1x128x128xf32, #tpu.memory_space<hbm>>
      %dma_wait3A_350 = tpu.memref_squeeze %dma_wait3A_349 : memref<1x128x128xf32, #tpu.memory_space<hbm>> -> memref<128x128xf32, #tpu.memory_space<hbm>>
      %dma_wait3A_351 = arith.constant 0 : i32
      %dma_wait3A_352 = arith.constant 0 : i32
      %dma_wait3A_353 = tpu.memref_slice %arg6[%dma_wait3A_340, %dma_wait3A_351, %dma_wait3A_352] : memref<4x128x128xf32, #tpu.memory_space<vmem>> -> memref<1x128x128xf32, #tpu.memory_space<vmem>>
      %dma_wait3A_354 = tpu.memref_squeeze %dma_wait3A_353 : memref<1x128x128xf32, #tpu.memory_space<vmem>> -> memref<128x128xf32, #tpu.memory_space<vmem>>
      tpu.wait_dma2 semaphore(%arg8 : memref<!tpu.dma_semaphore, #tpu.memory_space<semaphore_mem>>) src(%dma_wait3A_354 : memref<128x128xf32, #tpu.memory_space<vmem>>) dst(%dma_wait3A_350 : memref<128x128xf32, #tpu.memory_space<hbm>>)
      %dma_start3A_355 = arith.constant 3 : i32
      %dma_start3A_356 = arith.constant 0 : i32
      %dma_start3A_357 = arith.constant 0 : i32
      %dma_start3A_358 = tpu.memref_slice %arg6[%dma_start3A_355, %dma_start3A_356, %dma_start3A_357] : memref<4x128x128xf32, #tpu.memory_space<vmem>> -> memref<1x128x128xf32, #tpu.memory_space<vmem>>
      %dma_start3A_359 = tpu.memref_squeeze %dma_start3A_358 : memref<1x128x128xf32, #tpu.memory_space<vmem>> -> memref<128x128xf32, #tpu.memory_space<vmem>>
      %dma_start3A_360 = arith.constant 384 : i32
      %dma_start3A_361 = tpu.memref_slice %arg5[%scan3A_246, %dma_start3A_360] : memref<26x512xi32, #tpu.memory_space<vmem>> -> memref<1x128xi32, #tpu.memory_space<vmem>>
      %dma_start3A_362 = tpu.memref_squeeze %dma_start3A_361 : memref<1x128xi32, #tpu.memory_space<vmem>> -> memref<128xi32, #tpu.memory_space<vmem>>
      %dma_start3A_363 = arith.constant 0 : i32
      %dma_start3A_364 = arith.constant 0 : i32
      %dma_start3A_365 = tpu.memref_slice %arg3[%dma_start3A_363, %dma_start3A_364] : memref<100000x128xf32, #tpu.memory_space<hbm>> -> memref<100000x128xf32, #tpu.memory_space<hbm>>
      tpu.enqueue_indirect_dma source(%dma_start3A_365 : memref<100000x128xf32, #tpu.memory_space<hbm>>) target(%dma_start3A_359 : memref<128x128xf32, #tpu.memory_space<vmem>>) offsets(%dma_start3A_362 : memref<128xi32, #tpu.memory_space<vmem>>) semaphore(%arg7 : memref<!tpu.dma_semaphore, #tpu.memory_space<semaphore_mem>>)
      %dma_wait3A_366 = arith.constant 0 : i32
      %dma_wait3A_367 = arith.constant 0 : i32
      %dma_wait3A_368 = arith.constant 0 : i32
      %dma_wait3A_369 = tpu.memref_slice %arg6[%dma_wait3A_366, %dma_wait3A_367, %dma_wait3A_368] : memref<4x128x128xf32, #tpu.memory_space<vmem>> -> memref<1x128x128xf32, #tpu.memory_space<vmem>>
      %dma_wait3A_370 = tpu.memref_squeeze %dma_wait3A_369 : memref<1x128x128xf32, #tpu.memory_space<vmem>> -> memref<128x128xf32, #tpu.memory_space<vmem>>
      %dma_wait3A_371 = arith.constant 0 : i32
      %dma_wait3A_372 = tpu.memref_slice %arg5[%scan3A_246, %dma_wait3A_371] : memref<26x512xi32, #tpu.memory_space<vmem>> -> memref<1x128xi32, #tpu.memory_space<vmem>>
      %dma_wait3A_373 = tpu.memref_squeeze %dma_wait3A_372 : memref<1x128xi32, #tpu.memory_space<vmem>> -> memref<128xi32, #tpu.memory_space<vmem>>
      %dma_wait3A_374 = arith.constant 0 : i32
      %dma_wait3A_375 = arith.constant 0 : i32
      %dma_wait3A_376 = tpu.memref_slice %arg3[%dma_wait3A_374, %dma_wait3A_375] : memref<100000x128xf32, #tpu.memory_space<hbm>> -> memref<100000x128xf32, #tpu.memory_space<hbm>>
      tpu.wait_indirect_dma semaphore(%arg7 : memref<!tpu.dma_semaphore, #tpu.memory_space<semaphore_mem>>) src(%dma_wait3A_376 : memref<100000x128xf32, #tpu.memory_space<hbm>>) dst(%dma_wait3A_370 : memref<128x128xf32, #tpu.memory_space<vmem>>)
      %add3A_377 = arith.constant 0 : i32
      %add3A_378 = arith.addi %mul3A_2, %add3A_377 : i32
      %dma_start3A_379 = arith.constant 0 : i32
      %dma_start3A_380 = arith.constant 0 : i32
      %dma_start3A_381 = arith.constant 0 : i32
      %dma_start3A_382 = tpu.memref_slice %arg6[%dma_start3A_379, %dma_start3A_380, %dma_start3A_381] : memref<4x128x128xf32, #tpu.memory_space<vmem>> -> memref<1x128x128xf32, #tpu.memory_space<vmem>>
      %dma_start3A_383 = tpu.memref_squeeze %dma_start3A_382 : memref<1x128x128xf32, #tpu.memory_space<vmem>> -> memref<128x128xf32, #tpu.memory_space<vmem>>
      %dma_start3A_384 = arith.constant 0 : i32
      %dma_start3A_385 = tpu.memref_slice %arg4[%scan3A_246, %add3A_378, %dma_start3A_384] : memref<26x16384x128xf32, #tpu.memory_space<hbm>> -> memref<1x128x128xf32, #tpu.memory_space<hbm>>
      %dma_start3A_386 = tpu.memref_squeeze %dma_start3A_385 : memref<1x128x128xf32, #tpu.memory_space<hbm>> -> memref<128x128xf32, #tpu.memory_space<hbm>>
      %dma_start3A_387 = arith.constant 0 : i32
      %dma_start3A_388 = tpu.memref_slice %arg4[%scan3A_246, %add3A_378, %dma_start3A_387] : memref<26x16384x128xf32, #tpu.memory_space<hbm>> -> memref<1x128x128xf32, #tpu.memory_space<hbm>>
      %dma_start3A_389 = tpu.memref_squeeze %dma_start3A_388 : memref<1x128x128xf32, #tpu.memory_space<hbm>> -> memref<128x128xf32, #tpu.memory_space<hbm>>
      %dma_start3A_390 = arith.constant 0 : i32
      %dma_start3A_391 = arith.constant 0 : i32
      %dma_start3A_392 = tpu.memref_slice %arg6[%dma_start3A_379, %dma_start3A_390, %dma_start3A_391] : memref<4x128x128xf32, #tpu.memory_space<vmem>> -> memref<1x128x128xf32, #tpu.memory_space<vmem>>
      %dma_start3A_393 = tpu.memref_squeeze %dma_start3A_392 : memref<1x128x128xf32, #tpu.memory_space<vmem>> -> memref<128x128xf32, #tpu.memory_space<vmem>>
      tpu.enqueue_dma source(%dma_start3A_393 : memref<128x128xf32, #tpu.memory_space<vmem>>) target(%dma_start3A_389 : memref<128x128xf32, #tpu.memory_space<hbm>>) target_semaphore(%arg8 : memref<!tpu.dma_semaphore, #tpu.memory_space<semaphore_mem>>)
      %dma_wait3A_394 = arith.constant 1 : i32
      %dma_wait3A_395 = arith.constant 0 : i32
      %dma_wait3A_396 = arith.constant 0 : i32
      %dma_wait3A_397 = tpu.memref_slice %arg6[%dma_wait3A_394, %dma_wait3A_395, %dma_wait3A_396] : memref<4x128x128xf32, #tpu.memory_space<vmem>> -> memref<1x128x128xf32, #tpu.memory_space<vmem>>
      %dma_wait3A_398 = tpu.memref_squeeze %dma_wait3A_397 : memref<1x128x128xf32, #tpu.memory_space<vmem>> -> memref<128x128xf32, #tpu.memory_space<vmem>>
      %dma_wait3A_399 = arith.constant 128 : i32
      %dma_wait3A_400 = tpu.memref_slice %arg5[%scan3A_246, %dma_wait3A_399] : memref<26x512xi32, #tpu.memory_space<vmem>> -> memref<1x128xi32, #tpu.memory_space<vmem>>
      %dma_wait3A_401 = tpu.memref_squeeze %dma_wait3A_400 : memref<1x128xi32, #tpu.memory_space<vmem>> -> memref<128xi32, #tpu.memory_space<vmem>>
      %dma_wait3A_402 = arith.constant 0 : i32
      %dma_wait3A_403 = arith.constant 0 : i32
      %dma_wait3A_404 = tpu.memref_slice %arg3[%dma_wait3A_402, %dma_wait3A_403] : memref<100000x128xf32, #tpu.memory_space<hbm>> -> memref<100000x128xf32, #tpu.memory_space<hbm>>
      tpu.wait_indirect_dma semaphore(%arg7 : memref<!tpu.dma_semaphore, #tpu.memory_space<semaphore_mem>>) src(%dma_wait3A_404 : memref<100000x128xf32, #tpu.memory_space<hbm>>) dst(%dma_wait3A_398 : memref<128x128xf32, #tpu.memory_space<vmem>>)
      %add3A_405 = arith.constant 128 : i32
      %add3A_406 = arith.addi %mul3A_2, %add3A_405 : i32
      %dma_start3A_407 = arith.constant 1 : i32
      %dma_start3A_408 = arith.constant 0 : i32
      %dma_start3A_409 = arith.constant 0 : i32
      %dma_start3A_410 = tpu.memref_slice %arg6[%dma_start3A_407, %dma_start3A_408, %dma_start3A_409] : memref<4x128x128xf32, #tpu.memory_space<vmem>> -> memref<1x128x128xf32, #tpu.memory_space<vmem>>
      %dma_start3A_411 = tpu.memref_squeeze %dma_start3A_410 : memref<1x128x128xf32, #tpu.memory_space<vmem>> -> memref<128x128xf32, #tpu.memory_space<vmem>>
      %dma_start3A_412 = arith.constant 0 : i32
      %dma_start3A_413 = tpu.memref_slice %arg4[%scan3A_246, %add3A_406, %dma_start3A_412] : memref<26x16384x128xf32, #tpu.memory_space<hbm>> -> memref<1x128x128xf32, #tpu.memory_space<hbm>>
      %dma_start3A_414 = tpu.memref_squeeze %dma_start3A_413 : memref<1x128x128xf32, #tpu.memory_space<hbm>> -> memref<128x128xf32, #tpu.memory_space<hbm>>
      %dma_start3A_415 = arith.constant 0 : i32
      %dma_start3A_416 = tpu.memref_slice %arg4[%scan3A_246, %add3A_406, %dma_start3A_415] : memref<26x16384x128xf32, #tpu.memory_space<hbm>> -> memref<1x128x128xf32, #tpu.memory_space<hbm>>
      %dma_start3A_417 = tpu.memref_squeeze %dma_start3A_416 : memref<1x128x128xf32, #tpu.memory_space<hbm>> -> memref<128x128xf32, #tpu.memory_space<hbm>>
      %dma_start3A_418 = arith.constant 0 : i32
      %dma_start3A_419 = arith.constant 0 : i32
      %dma_start3A_420 = tpu.memref_slice %arg6[%dma_start3A_407, %dma_start3A_418, %dma_start3A_419] : memref<4x128x128xf32, #tpu.memory_space<vmem>> -> memref<1x128x128xf32, #tpu.memory_space<vmem>>
      %dma_start3A_421 = tpu.memref_squeeze %dma_start3A_420 : memref<1x128x128xf32, #tpu.memory_space<vmem>> -> memref<128x128xf32, #tpu.memory_space<vmem>>
      tpu.enqueue_dma source(%dma_start3A_421 : memref<128x128xf32, #tpu.memory_space<vmem>>) target(%dma_start3A_417 : memref<128x128xf32, #tpu.memory_space<hbm>>) target_semaphore(%arg8 : memref<!tpu.dma_semaphore, #tpu.memory_space<semaphore_mem>>)
      %dma_wait3A_422 = arith.constant 2 : i32
      %dma_wait3A_423 = arith.constant 0 : i32
      %dma_wait3A_424 = arith.constant 0 : i32
      %dma_wait3A_425 = tpu.memref_slice %arg6[%dma_wait3A_422, %dma_wait3A_423, %dma_wait3A_424] : memref<4x128x128xf32, #tpu.memory_space<vmem>> -> memref<1x128x128xf32, #tpu.memory_space<vmem>>
      %dma_wait3A_426 = tpu.memref_squeeze %dma_wait3A_425 : memref<1x128x128xf32, #tpu.memory_space<vmem>> -> memref<128x128xf32, #tpu.memory_space<vmem>>
      %dma_wait3A_427 = arith.constant 256 : i32
      %dma_wait3A_428 = tpu.memref_slice %arg5[%scan3A_246, %dma_wait3A_427] : memref<26x512xi32, #tpu.memory_space<vmem>> -> memref<1x128xi32, #tpu.memory_space<vmem>>
      %dma_wait3A_429 = tpu.memref_squeeze %dma_wait3A_428 : memref<1x128xi32, #tpu.memory_space<vmem>> -> memref<128xi32, #tpu.memory_space<vmem>>
      %dma_wait3A_430 = arith.constant 0 : i32
      %dma_wait3A_431 = arith.constant 0 : i32
      %dma_wait3A_432 = tpu.memref_slice %arg3[%dma_wait3A_430, %dma_wait3A_431] : memref<100000x128xf32, #tpu.memory_space<hbm>> -> memref<100000x128xf32, #tpu.memory_space<hbm>>
      tpu.wait_indirect_dma semaphore(%arg7 : memref<!tpu.dma_semaphore, #tpu.memory_space<semaphore_mem>>) src(%dma_wait3A_432 : memref<100000x128xf32, #tpu.memory_space<hbm>>) dst(%dma_wait3A_426 : memref<128x128xf32, #tpu.memory_space<vmem>>)
      %add3A_433 = arith.constant 256 : i32
      %add3A_434 = arith.addi %mul3A_2, %add3A_433 : i32
      %dma_start3A_435 = arith.constant 2 : i32
      %dma_start3A_436 = arith.constant 0 : i32
      %dma_start3A_437 = arith.constant 0 : i32
      %dma_start3A_438 = tpu.memref_slice %arg6[%dma_start3A_435, %dma_start3A_436, %dma_start3A_437] : memref<4x128x128xf32, #tpu.memory_space<vmem>> -> memref<1x128x128xf32, #tpu.memory_space<vmem>>
      %dma_start3A_439 = tpu.memref_squeeze %dma_start3A_438 : memref<1x128x128xf32, #tpu.memory_space<vmem>> -> memref<128x128xf32, #tpu.memory_space<vmem>>
      %dma_start3A_440 = arith.constant 0 : i32
      %dma_start3A_441 = tpu.memref_slice %arg4[%scan3A_246, %add3A_434, %dma_start3A_440] : memref<26x16384x128xf32, #tpu.memory_space<hbm>> -> memref<1x128x128xf32, #tpu.memory_space<hbm>>
      %dma_start3A_442 = tpu.memref_squeeze %dma_start3A_441 : memref<1x128x128xf32, #tpu.memory_space<hbm>> -> memref<128x128xf32, #tpu.memory_space<hbm>>
      %dma_start3A_443 = arith.constant 0 : i32
      %dma_start3A_444 = tpu.memref_slice %arg4[%scan3A_246, %add3A_434, %dma_start3A_443] : memref<26x16384x128xf32, #tpu.memory_space<hbm>> -> memref<1x128x128xf32, #tpu.memory_space<hbm>>
      %dma_start3A_445 = tpu.memref_squeeze %dma_start3A_444 : memref<1x128x128xf32, #tpu.memory_space<hbm>> -> memref<128x128xf32, #tpu.memory_space<hbm>>
      %dma_start3A_446 = arith.constant 0 : i32
      %dma_start3A_447 = arith.constant 0 : i32
      %dma_start3A_448 = tpu.memref_slice %arg6[%dma_start3A_435, %dma_start3A_446, %dma_start3A_447] : memref<4x128x128xf32, #tpu.memory_space<vmem>> -> memref<1x128x128xf32, #tpu.memory_space<vmem>>
      %dma_start3A_449 = tpu.memref_squeeze %dma_start3A_448 : memref<1x128x128xf32, #tpu.memory_space<vmem>> -> memref<128x128xf32, #tpu.memory_space<vmem>>
      tpu.enqueue_dma source(%dma_start3A_449 : memref<128x128xf32, #tpu.memory_space<vmem>>) target(%dma_start3A_445 : memref<128x128xf32, #tpu.memory_space<hbm>>) target_semaphore(%arg8 : memref<!tpu.dma_semaphore, #tpu.memory_space<semaphore_mem>>)
      %dma_wait3A_450 = arith.constant 3 : i32
      %dma_wait3A_451 = arith.constant 0 : i32
      %dma_wait3A_452 = arith.constant 0 : i32
      %dma_wait3A_453 = tpu.memref_slice %arg6[%dma_wait3A_450, %dma_wait3A_451, %dma_wait3A_452] : memref<4x128x128xf32, #tpu.memory_space<vmem>> -> memref<1x128x128xf32, #tpu.memory_space<vmem>>
      %dma_wait3A_454 = tpu.memref_squeeze %dma_wait3A_453 : memref<1x128x128xf32, #tpu.memory_space<vmem>> -> memref<128x128xf32, #tpu.memory_space<vmem>>
      %dma_wait3A_455 = arith.constant 384 : i32
      %dma_wait3A_456 = tpu.memref_slice %arg5[%scan3A_246, %dma_wait3A_455] : memref<26x512xi32, #tpu.memory_space<vmem>> -> memref<1x128xi32, #tpu.memory_space<vmem>>
      %dma_wait3A_457 = tpu.memref_squeeze %dma_wait3A_456 : memref<1x128xi32, #tpu.memory_space<vmem>> -> memref<128xi32, #tpu.memory_space<vmem>>
      %dma_wait3A_458 = arith.constant 0 : i32
      %dma_wait3A_459 = arith.constant 0 : i32
      %dma_wait3A_460 = tpu.memref_slice %arg3[%dma_wait3A_458, %dma_wait3A_459] : memref<100000x128xf32, #tpu.memory_space<hbm>> -> memref<100000x128xf32, #tpu.memory_space<hbm>>
      tpu.wait_indirect_dma semaphore(%arg7 : memref<!tpu.dma_semaphore, #tpu.memory_space<semaphore_mem>>) src(%dma_wait3A_460 : memref<100000x128xf32, #tpu.memory_space<hbm>>) dst(%dma_wait3A_454 : memref<128x128xf32, #tpu.memory_space<vmem>>)
      %add3A_461 = arith.constant 384 : i32
      %add3A_462 = arith.addi %mul3A_2, %add3A_461 : i32
      %dma_start3A_463 = arith.constant 3 : i32
      %dma_start3A_464 = arith.constant 0 : i32
      %dma_start3A_465 = arith.constant 0 : i32
      %dma_start3A_466 = tpu.memref_slice %arg6[%dma_start3A_463, %dma_start3A_464, %dma_start3A_465] : memref<4x128x128xf32, #tpu.memory_space<vmem>> -> memref<1x128x128xf32, #tpu.memory_space<vmem>>
      %dma_start3A_467 = tpu.memref_squeeze %dma_start3A_466 : memref<1x128x128xf32, #tpu.memory_space<vmem>> -> memref<128x128xf32, #tpu.memory_space<vmem>>
      %dma_start3A_468 = arith.constant 0 : i32
      %dma_start3A_469 = tpu.memref_slice %arg4[%scan3A_246, %add3A_462, %dma_start3A_468] : memref<26x16384x128xf32, #tpu.memory_space<hbm>> -> memref<1x128x128xf32, #tpu.memory_space<hbm>>
      %dma_start3A_470 = tpu.memref_squeeze %dma_start3A_469 : memref<1x128x128xf32, #tpu.memory_space<hbm>> -> memref<128x128xf32, #tpu.memory_space<hbm>>
      %dma_start3A_471 = arith.constant 0 : i32
      %dma_start3A_472 = tpu.memref_slice %arg4[%scan3A_246, %add3A_462, %dma_start3A_471] : memref<26x16384x128xf32, #tpu.memory_space<hbm>> -> memref<1x128x128xf32, #tpu.memory_space<hbm>>
      %dma_start3A_473 = tpu.memref_squeeze %dma_start3A_472 : memref<1x128x128xf32, #tpu.memory_space<hbm>> -> memref<128x128xf32, #tpu.memory_space<hbm>>
      %dma_start3A_474 = arith.constant 0 : i32
      %dma_start3A_475 = arith.constant 0 : i32
      %dma_start3A_476 = tpu.memref_slice %arg6[%dma_start3A_463, %dma_start3A_474, %dma_start3A_475] : memref<4x128x128xf32, #tpu.memory_space<vmem>> -> memref<1x128x128xf32, #tpu.memory_space<vmem>>
      %dma_start3A_477 = tpu.memref_squeeze %dma_start3A_476 : memref<1x128x128xf32, #tpu.memory_space<vmem>> -> memref<128x128xf32, #tpu.memory_space<vmem>>
      tpu.enqueue_dma source(%dma_start3A_477 : memref<128x128xf32, #tpu.memory_space<vmem>>) target(%dma_start3A_473 : memref<128x128xf32, #tpu.memory_space<hbm>>) target_semaphore(%arg8 : memref<!tpu.dma_semaphore, #tpu.memory_space<semaphore_mem>>)
    }
    %scan3A_173 = arith.constant 25 : i32
    %add3A_174 = arith.constant 0 : i32
    %add3A_175 = arith.addi %mul3A_2, %add3A_174 : i32
    %dma_wait3A_176 = arith.constant 0 : i32
    %dma_wait3A_177 = arith.constant 25 : i32
    %dma_wait3A_178 = arith.constant 0 : i32
    %dma_wait3A_179 = arith.constant 0 : i32
    %dma_wait3A_180 = tpu.memref_slice %arg6[%dma_wait3A_176, %dma_wait3A_178, %dma_wait3A_179] : memref<4x128x128xf32, #tpu.memory_space<vmem>> -> memref<1x128x128xf32, #tpu.memory_space<vmem>>
    %dma_wait3A_181 = tpu.memref_squeeze %dma_wait3A_180 : memref<1x128x128xf32, #tpu.memory_space<vmem>> -> memref<128x128xf32, #tpu.memory_space<vmem>>
    %dma_wait3A_182 = arith.constant 0 : i32
    %dma_wait3A_183 = tpu.memref_slice %arg4[%dma_wait3A_177, %add3A_175, %dma_wait3A_182] : memref<26x16384x128xf32, #tpu.memory_space<hbm>> -> memref<1x128x128xf32, #tpu.memory_space<hbm>>
    %dma_wait3A_184 = tpu.memref_squeeze %dma_wait3A_183 : memref<1x128x128xf32, #tpu.memory_space<hbm>> -> memref<128x128xf32, #tpu.memory_space<hbm>>
    %dma_wait3A_185 = arith.constant 0 : i32
    %dma_wait3A_186 = tpu.memref_slice %arg4[%dma_wait3A_177, %add3A_175, %dma_wait3A_185] : memref<26x16384x128xf32, #tpu.memory_space<hbm>> -> memref<1x128x128xf32, #tpu.memory_space<hbm>>
    %dma_wait3A_187 = tpu.memref_squeeze %dma_wait3A_186 : memref<1x128x128xf32, #tpu.memory_space<hbm>> -> memref<128x128xf32, #tpu.memory_space<hbm>>
    %dma_wait3A_188 = arith.constant 0 : i32
    %dma_wait3A_189 = arith.constant 0 : i32
    %dma_wait3A_190 = tpu.memref_slice %arg6[%dma_wait3A_176, %dma_wait3A_188, %dma_wait3A_189] : memref<4x128x128xf32, #tpu.memory_space<vmem>> -> memref<1x128x128xf32, #tpu.memory_space<vmem>>
    %dma_wait3A_191 = tpu.memref_squeeze %dma_wait3A_190 : memref<1x128x128xf32, #tpu.memory_space<vmem>> -> memref<128x128xf32, #tpu.memory_space<vmem>>
    tpu.wait_dma2 semaphore(%arg8 : memref<!tpu.dma_semaphore, #tpu.memory_space<semaphore_mem>>) src(%dma_wait3A_191 : memref<128x128xf32, #tpu.memory_space<vmem>>) dst(%dma_wait3A_187 : memref<128x128xf32, #tpu.memory_space<hbm>>)
    %add3A_192 = arith.constant 128 : i32
    %add3A_193 = arith.addi %mul3A_2, %add3A_192 : i32
    %dma_wait3A_194 = arith.constant 1 : i32
    %dma_wait3A_195 = arith.constant 25 : i32
    %dma_wait3A_196 = arith.constant 0 : i32
    %dma_wait3A_197 = arith.constant 0 : i32
    %dma_wait3A_198 = tpu.memref_slice %arg6[%dma_wait3A_194, %dma_wait3A_196, %dma_wait3A_197] : memref<4x128x128xf32, #tpu.memory_space<vmem>> -> memref<1x128x128xf32, #tpu.memory_space<vmem>>
    %dma_wait3A_199 = tpu.memref_squeeze %dma_wait3A_198 : memref<1x128x128xf32, #tpu.memory_space<vmem>> -> memref<128x128xf32, #tpu.memory_space<vmem>>
    %dma_wait3A_200 = arith.constant 0 : i32
    %dma_wait3A_201 = tpu.memref_slice %arg4[%dma_wait3A_195, %add3A_193, %dma_wait3A_200] : memref<26x16384x128xf32, #tpu.memory_space<hbm>> -> memref<1x128x128xf32, #tpu.memory_space<hbm>>
    %dma_wait3A_202 = tpu.memref_squeeze %dma_wait3A_201 : memref<1x128x128xf32, #tpu.memory_space<hbm>> -> memref<128x128xf32, #tpu.memory_space<hbm>>
    %dma_wait3A_203 = arith.constant 0 : i32
    %dma_wait3A_204 = tpu.memref_slice %arg4[%dma_wait3A_195, %add3A_193, %dma_wait3A_203] : memref<26x16384x128xf32, #tpu.memory_space<hbm>> -> memref<1x128x128xf32, #tpu.memory_space<hbm>>
    %dma_wait3A_205 = tpu.memref_squeeze %dma_wait3A_204 : memref<1x128x128xf32, #tpu.memory_space<hbm>> -> memref<128x128xf32, #tpu.memory_space<hbm>>
    %dma_wait3A_206 = arith.constant 0 : i32
    %dma_wait3A_207 = arith.constant 0 : i32
    %dma_wait3A_208 = tpu.memref_slice %arg6[%dma_wait3A_194, %dma_wait3A_206, %dma_wait3A_207] : memref<4x128x128xf32, #tpu.memory_space<vmem>> -> memref<1x128x128xf32, #tpu.memory_space<vmem>>
    %dma_wait3A_209 = tpu.memref_squeeze %dma_wait3A_208 : memref<1x128x128xf32, #tpu.memory_space<vmem>> -> memref<128x128xf32, #tpu.memory_space<vmem>>
    tpu.wait_dma2 semaphore(%arg8 : memref<!tpu.dma_semaphore, #tpu.memory_space<semaphore_mem>>) src(%dma_wait3A_209 : memref<128x128xf32, #tpu.memory_space<vmem>>) dst(%dma_wait3A_205 : memref<128x128xf32, #tpu.memory_space<hbm>>)
    %add3A_210 = arith.constant 256 : i32
    %add3A_211 = arith.addi %mul3A_2, %add3A_210 : i32
    %dma_wait3A_212 = arith.constant 2 : i32
    %dma_wait3A_213 = arith.constant 25 : i32
    %dma_wait3A_214 = arith.constant 0 : i32
    %dma_wait3A_215 = arith.constant 0 : i32
    %dma_wait3A_216 = tpu.memref_slice %arg6[%dma_wait3A_212, %dma_wait3A_214, %dma_wait3A_215] : memref<4x128x128xf32, #tpu.memory_space<vmem>> -> memref<1x128x128xf32, #tpu.memory_space<vmem>>
    %dma_wait3A_217 = tpu.memref_squeeze %dma_wait3A_216 : memref<1x128x128xf32, #tpu.memory_space<vmem>> -> memref<128x128xf32, #tpu.memory_space<vmem>>
    %dma_wait3A_218 = arith.constant 0 : i32
    %dma_wait3A_219 = tpu.memref_slice %arg4[%dma_wait3A_213, %add3A_211, %dma_wait3A_218] : memref<26x16384x128xf32, #tpu.memory_space<hbm>> -> memref<1x128x128xf32, #tpu.memory_space<hbm>>
    %dma_wait3A_220 = tpu.memref_squeeze %dma_wait3A_219 : memref<1x128x128xf32, #tpu.memory_space<hbm>> -> memref<128x128xf32, #tpu.memory_space<hbm>>
    %dma_wait3A_221 = arith.constant 0 : i32
    %dma_wait3A_222 = tpu.memref_slice %arg4[%dma_wait3A_213, %add3A_211, %dma_wait3A_221] : memref<26x16384x128xf32, #tpu.memory_space<hbm>> -> memref<1x128x128xf32, #tpu.memory_space<hbm>>
    %dma_wait3A_223 = tpu.memref_squeeze %dma_wait3A_222 : memref<1x128x128xf32, #tpu.memory_space<hbm>> -> memref<128x128xf32, #tpu.memory_space<hbm>>
    %dma_wait3A_224 = arith.constant 0 : i32
    %dma_wait3A_225 = arith.constant 0 : i32
    %dma_wait3A_226 = tpu.memref_slice %arg6[%dma_wait3A_212, %dma_wait3A_224, %dma_wait3A_225] : memref<4x128x128xf32, #tpu.memory_space<vmem>> -> memref<1x128x128xf32, #tpu.memory_space<vmem>>
    %dma_wait3A_227 = tpu.memref_squeeze %dma_wait3A_226 : memref<1x128x128xf32, #tpu.memory_space<vmem>> -> memref<128x128xf32, #tpu.memory_space<vmem>>
    tpu.wait_dma2 semaphore(%arg8 : memref<!tpu.dma_semaphore, #tpu.memory_space<semaphore_mem>>) src(%dma_wait3A_227 : memref<128x128xf32, #tpu.memory_space<vmem>>) dst(%dma_wait3A_223 : memref<128x128xf32, #tpu.memory_space<hbm>>)
    %add3A_228 = arith.constant 384 : i32
    %add3A_229 = arith.addi %mul3A_2, %add3A_228 : i32
    %dma_wait3A_230 = arith.constant 3 : i32
    %dma_wait3A_231 = arith.constant 25 : i32
    %dma_wait3A_232 = arith.constant 0 : i32
    %dma_wait3A_233 = arith.constant 0 : i32
    %dma_wait3A_234 = tpu.memref_slice %arg6[%dma_wait3A_230, %dma_wait3A_232, %dma_wait3A_233] : memref<4x128x128xf32, #tpu.memory_space<vmem>> -> memref<1x128x128xf32, #tpu.memory_space<vmem>>
    %dma_wait3A_235 = tpu.memref_squeeze %dma_wait3A_234 : memref<1x128x128xf32, #tpu.memory_space<vmem>> -> memref<128x128xf32, #tpu.memory_space<vmem>>
    %dma_wait3A_236 = arith.constant 0 : i32
    %dma_wait3A_237 = tpu.memref_slice %arg4[%dma_wait3A_231, %add3A_229, %dma_wait3A_236] : memref<26x16384x128xf32, #tpu.memory_space<hbm>> -> memref<1x128x128xf32, #tpu.memory_space<hbm>>
    %dma_wait3A_238 = tpu.memref_squeeze %dma_wait3A_237 : memref<1x128x128xf32, #tpu.memory_space<hbm>> -> memref<128x128xf32, #tpu.memory_space<hbm>>
    %dma_wait3A_239 = arith.constant 0 : i32
    %dma_wait3A_240 = tpu.memref_slice %arg4[%dma_wait3A_231, %add3A_229, %dma_wait3A_239] : memref<26x16384x128xf32, #tpu.memory_space<hbm>> -> memref<1x128x128xf32, #tpu.memory_space<hbm>>
    %dma_wait3A_241 = tpu.memref_squeeze %dma_wait3A_240 : memref<1x128x128xf32, #tpu.memory_space<hbm>> -> memref<128x128xf32, #tpu.memory_space<hbm>>
    %dma_wait3A_242 = arith.constant 0 : i32
    %dma_wait3A_243 = arith.constant 0 : i32
    %dma_wait3A_244 = tpu.memref_slice %arg6[%dma_wait3A_230, %dma_wait3A_242, %dma_wait3A_243] : memref<4x128x128xf32, #tpu.memory_space<vmem>> -> memref<1x128x128xf32, #tpu.memory_space<vmem>>
    %dma_wait3A_245 = tpu.memref_squeeze %dma_wait3A_244 : memref<1x128x128xf32, #tpu.memory_space<vmem>> -> memref<128x128xf32, #tpu.memory_space<vmem>>
    tpu.wait_dma2 semaphore(%arg8 : memref<!tpu.dma_semaphore, #tpu.memory_space<semaphore_mem>>) src(%dma_wait3A_245 : memref<128x128xf32, #tpu.memory_space<vmem>>) dst(%dma_wait3A_241 : memref<128x128xf32, #tpu.memory_space<hbm>>)
    return
  }
}

</mosaic_0001>

<sc_bundles>
// kernel: kernel.3.cloned.1.call-start
scs
__scs_entry_jumppad:
0x0: {  	(pc) =	sbr.rel $0x88, $3  }
0x1: {  	(tag) =	ssettag $0x0;
	lr =	simm.s32 $0x1  }
0x2: {  	[smem:$0x3F9F] =	sst lr;
	_ =	strace $0xD0000000  }
0x3: {  	_ = 	snop  }
0x4: {  	_ = 	snop  }
0x5: {  	_ = 	snop  }
0x6: {  	_ = 	snop  }
0x7: {  	_ = 	snop  }
__scs_overlays_trampoline_lowered:
0x8: {  	[smem:$0x3FAE] =	sst s0  }
0x9: {  	[smem:$0x3FAF] =	sst s1  }
0xa: {  	[smem:$0x3FB0] =	sst s2  }
0xb: {  	[smem:$0x3FB1] =	sst s3  }
0xc: {  	[smem:$0x3FB2] =	sst s4  }
0xd: {  	[smem:$0x3FB3] =	sst s5  }
0xe: {  	[smem:$0x3FB4] =	sst s6  }
0xf: {  	[smem:$0x3FB5] =	sst s7  }
0x10: {  	[smem:$0x3FB6] =	sst s8  }
0x11: {  	[smem:$0x3FB7] =	sst s9;
	s0 =	simm.s32 @!p0 $0x0  }
0x12: {  	s1 =	sld [smem:$0x3F9D];
	s0 =	simm.s32 @p0 $0x1  }
0x13: {  	[smem:$0x3FB8] =	sst s0;
	s0 =	simm.s32 @!p1 $0x0  }
0x14: {  	s2 =	sld [smem:$0x3F9C];
	s0 =	simm.s32 @p1 $0x1  }
0x15: {  	[smem:$0x3FB9] =	sst s0;
	s0 =	simm.s32 @!p2 $0x0  }
0x16: {  	s3 =	sld [smem:$0x3FDB];
	s0 =	simm.s32 @p2 $0x1  }
0x17: {  	s4 =	simm.s32 $0x1BF5;
	[smem:$0x3FBB] =	sst s0  }
0x18: {  	s0 =	sld [smem:$0x3F9E];
	_ =	swait.ge [sflag:s4], $0x0  }
0x19: {  	s7 =	sld [smem:$0x3F9F]  }
0x1a: {  	s8 =	sadd.s32 $0xFFFFE003, lr  }
0x1b: {  	s9 =	sadd.s32 $0xFFFFFEF7, lr;
	s5 =	simm.s32 $0xFFFFFFFF;
	p2 =	slt.u32 s8, $0xFFFFF086  }
0x1c: {  	p1 =	slt.u32 s9, $0xF7A;
	s5 =	simm.s32 @!p2 $0x0  }
0x1d: {  	s5 =	simm.s32 @p1 $0x1;
	p0 =	seq.s32 s7, s2  }
0x1e: {  	s7 =	smul.u32 @!p0 $0xF7A, s2;
	p2 =	seq.s32 @!p0 s5, $0x0  }
0x1f: {  	s9 =	smul.u32 $0xF7A, s1;
	s8 =	simm.s32 @!p0 $0x1BF5;
	p2 =	por !p2, p0  }
0x20: {  	[sflag:s8] =	ssyncset.s32 @!p0 $0xFFFFF086;
	s6 =	sadd.s32 @!p0 s3, s7;
	s7 =	simm.s32 @!p0 $0x108  }
0x21: {  	s3 =	sadd.s32 s3, s9;
	s6 =	sadd.s32 @!p0 $0x88, s6;
	s7 =	simm.s32 @p2 $0x1082  }
0x22: {  	[simem:s7], [sflag:s8] =	dma.local @!p0 [hbm:s6], $0xF7A  }
0x23: {  	s9 =	sor.u32 $0xD0000000, s2;
	s6 =	simm.s32 $0x108;
	_ =	swait.ge @!p0 [sflag:s8], $0x0  }
0x24: {  	s3 =	sadd.s32 $0x88, s3;
	s6 =	simm.s32 @!p1 $0x1082;
	[sflag:s4] =	ssyncset.s32 $0xFFFFF086  }
0x25: {  	[simem:s6], [sflag:s4] =	dma.local [hbm:s3], $0xF7A  }
0x26: {  	[smem:$0x3F9F] =	sst s1;
	(tag) =	ssettag s2;
	_ =	strace s9  }
0x27: {  	s1 =	sld [smem:$0x3FAF]  }
0x28: {  	s2 =	sld [smem:$0x3FB0]  }
0x29: {  	s4 =	sld [smem:$0x3FB2]  }
0x2a: {  	p0 =	seq.s32 s5, $0x0;
	s5 =	sld [smem:$0x3FB3]  }
0x2b: {  	s6 =	sld [smem:$0x3FB4]  }
0x2c: {  	s7 =	sld [smem:$0x3FB5]  }
0x2d: {  	s3 =	simm.s32 $0x108;
	s8 =	sld [smem:$0x3FB6]  }
0x2e: {  	s3 =	simm.s32 @!p0 $0x1082;
	s9 =	sld [smem:$0x3FB7]  }
0x2f: {  	lr =	sadd.s32 s0, s3;
	s0 =	sld [smem:$0x3FAE]  }
0x30: {  	s3 =	sld [smem:$0x3FB1]  }
0x31: {  	[smem:$0x3FBA] =	sst s10  }
0x32: {  	s10 =	sld [smem:$0x3FB8];
	_ =	sdelay $0x3  }
0x33: {  	p0 =	seq.s32 s10, $0x1;
	s10 =	sld [smem:$0x3FBA];
	_ =	sdelay $0x3  }
0x34: {  	[smem:$0x3FBA] =	sst s10  }
0x35: {  	s10 =	sld [smem:$0x3FB9];
	_ =	sdelay $0x3  }
0x36: {  	p1 =	seq.s32 s10, $0x1;
	s10 =	sld [smem:$0x3FBA];
	_ =	sdelay $0x3  }
0x37: {  	[smem:$0x3FBA] =	sst s10  }
0x38: {  	s10 =	sld [smem:$0x3FBB]  }
0x39: {  	_ = 	snop;
	(pc) =	sbr.ind lr, $3  }
0x3a: {  	_ = 	snop  }
0x3b: {  	_ = 	snop  }
0x3c: {  	p2 =	seq.s32 s10, $0x1;
	s10 =	sld [smem:$0x3FBA]  }
0x3d: {  	_ =	shalt  }
0x3e: {  	_ =	shalt  }
0x3f: {  	_ =	shalt  }
0x40: {  	_ =	shalt  }
0x41: {  	_ =	shalt  }
0x42: {  	_ =	shalt  }
0x43: {  	_ =	shalt  }
0x44: {  	_ =	shalt  }
0x45: {  	_ =	shalt  }
0x46: {  	_ =	shalt  }
0x47: {  	_ =	shalt  }
0x48: {  	_ =	shalt  }
0x49: {  	_ =	shalt  }
0x4a: {  	_ =	shalt  }
0x4b: {  	_ =	shalt  }
0x4c: {  	_ =	shalt  }
0x4d: {  	_ =	shalt  }
0x4e: {  	_ =	shalt  }
0x4f: {  	_ =	shalt  }
0x50: {  	_ =	shalt  }
0x51: {  	_ =	shalt  }
0x52: {  	_ =	shalt  }
0x53: {  	_ =	shalt  }
0x54: {  	_ =	shalt  }
0x55: {  	_ =	shalt  }
0x56: {  	_ =	shalt  }
0x57: {  	_ =	shalt  }
0x58: {  	_ =	shalt  }
0x59: {  	_ =	shalt  }
0x5a: {  	_ =	shalt  }
0x5b: {  	_ =	shalt  }
0x5c: {  	_ =	shalt  }
0x5d: {  	_ =	shalt  }
0x5e: {  	_ =	shalt  }
0x5f: {  	_ =	shalt  }
0x60: {  	_ =	shalt  }
0x61: {  	_ =	shalt  }
0x62: {  	_ =	shalt  }
0x63: {  	_ =	shalt  }
0x64: {  	_ =	shalt  }
0x65: {  	_ =	shalt  }
0x66: {  	_ =	shalt  }
0x67: {  	_ =	shalt  }
0x68: {  	_ =	shalt  }
0x69: {  	_ =	shalt  }
0x6a: {  	_ =	shalt  }
0x6b: {  	_ =	shalt  }
0x6c: {  	_ =	shalt  }
0x6d: {  	_ =	shalt  }
0x6e: {  	_ =	shalt  }
0x6f: {  	_ =	shalt  }
0x70: {  	_ =	shalt  }
0x71: {  	_ =	shalt  }
0x72: {  	_ =	shalt  }
0x73: {  	_ =	shalt  }
0x74: {  	_ =	shalt  }
0x75: {  	_ =	shalt  }
0x76: {  	_ =	shalt  }
0x77: {  	_ =	shalt  }
0x78: {  	_ =	shalt  }
0x79: {  	_ =	shalt  }
0x7a: {  	_ =	shalt  }
0x7b: {  	_ =	shalt  }
0x7c: {  	_ =	shalt  }
0x7d: {  	_ =	shalt  }
0x7e: {  	_ =	shalt  }
0x7f: {  	_ =	shalt  }
0x80: {  	_ =	shalt  }
0x81: {  	_ =	shalt  }
0x82: {  	_ =	shalt  }
0x83: {  	_ =	shalt  }
0x84: {  	_ =	shalt  }
0x85: {  	_ =	shalt  }
0x86: {  	_ =	shalt  }
0x87: {  	_ =	shalt  }
.Lfunc_end0:
.L_simem_size_0:
called_computation_lowered:
.L_overlay_start_0:
0x88: {  	s2 =	sld [smem:$0x3FD9]  }
0x89: {  	s3 =	sld [smem:$0x3FFE];
	_ =	sdelay $0x1  }
0x8a: {  	s1 =	srdreg.scid  }
0x8b: {  	s0 =	sand.u32 $0x1, s1  }
0x8c: {  	s18 =	sshll.u32 s0, $0xA;
	s2 =	sadd.s32 s3, s2  }
0x8d: {  	s2 =	sadd.s32 s2, s18  }
0x8e: {  	[smem:$0x3FC6] =	sst s2  }
0x8f: {  	_ = 	snop  }
0x90: {  	s2 =	sld [smem:$0x3FC9]  }
0x91: {  	s19 =	sld [smem:$0x3FC8]  }
0x92: {  	s4 =	sld [smem:$0x3FD0];
	(tm) =	ssettm $0x1  }
0x93: {  	s5 =	sld [smem:$0x3FFB];
	_ =	sdelay $0x3  }
0x94: {  	_ =	strace s5  }
0x95: {  	s5 =	sld [smem:$0x3FFC];
	_ =	sdelay $0x3  }
0x96: {  	_ =	strace s5  }
0x97: {  	s5 =	sld [smem:$0x3FFD];
	_ =	sdelay $0x3  }
0x98: {  	_ =	strace s5  }
0x99: {  	_ =	strace $0x8FFFFFFF  }
0x9a: {  	s20 =	sld [smem:$0x3FDB];
	_ =	sdelay $0x1  }
0x9b: {  	s6 =	simm.s32 $_scs_section_size  }
0x9c: {  	s7 =	simm.s32 $_size__tile_overlayer_lowered;
	s8 =	simm.s32 $_tile_overlayer_lowered  }
0x9d: {  	s23 =	simm.s32 $0x1BFF;
	s22 =	sshll.u32 s8, $0x1;
	s5 =	sadd.s32 s6, s20  }
0x9e: {  	s9 =	simm.s32 $0x0;
	s21 =	sshll.u32 s7, $0x1;
	s7 =	sadd.s32 s22, s5  }
0x9f: {  	[timem:s9], [sflag:s23] =	dma.local [hbm:s7], s21  }
0xa0: {  	_ =	swait.ge [sflag:s23], s21  }
0xa1: {  	s6 =	ssub.s32 $0x0, s21;
	[sflag:s23] =	ssyncset.done $0x0  }
0xa2: {  	[sflag:s23] =	ssyncadd.s32 s6;
	_ =	sdelay $0x1  }
0xa3: {  	s24 =	simm.s32 $0x1B8B  }
0xa4: {  	_ =	swait.ge [sflag:s24], $0x1  }
0xa5: {  	[sflag:s24] =	ssyncset.done $0x0  }
0xa6: {  	s25 =	simm.s32 $0x1B8E;
	[sflag:s24] =	ssyncadd.s32 $0xFFFFFFFF  }
0xa7: {  	s26 =	simm.s32 $execute0_lowered;
	[smem:$0x3FD2] =	sst s25  }
0xa8: {  	s6 =	sshll.u32 s26, $0x1;
	_ =	strace $0x80000046;
	[dreg:$0x1] =	wrdreg $0xFFFFFFFF  }
0xa9: {  	s28 =	simm.s32 $_size_execute0_lowered;
	s5 =	sadd.s32 s5, s6;
	[dreg:$0x0] =	wrdreg $0x0  }
0xaa: {  	s6 =	sshll.u32 s28, $0x1;
	[dreg:$0x2] =	wrdreg s5  }
0xab: {  	[dreg:$0x3] =	wrdreg s6  }
0xac: {  	[dreg:$0x4] =	wrdreg $0xC0  }
0xad: {  	_ =	task [dreg:s9], $0x5FFFF  }
0xae: {  	[dreg:$0x1] =	wrdreg $0xFFFFFFFF  }
0xaf: {  	[dreg:$0x0] =	wrdreg $0x60  }
0xb0: {  	[dreg:$0x2] =	wrdreg s2  }
0xb1: {  	[dreg:$0x3] =	wrdreg s19  }
0xb2: {  	[dreg:$0x4] =	wrdreg s4  }
0xb3: {  	[dreg:$0x5] =	wrdreg $0x9  }
0xb4: {  	_ =	task.clear_ibuf [dreg:s9], $0x6FFFF;
	_ =	strace $0x90000046  }
0xb5: {  	s29 =	simm.s32 $0x9;
	_ =	strace $0x80000048  }
0xb6: {  	_ =	swait.ge [sflag:s29], $0x1  }
0xb7: {  	[sflag:s29] =	ssyncadd.s32 $0xFFFFFFFF  }
0xb8: {  	_ =	strace $0x90000048  }
0xb9: {  	_ =	sfence  }
0xba: {  	s30 =	sld [smem:$0x0];
	_ =	sdelay $0x2  }
0xbb: {  	s31 =	sshll.u32 s1, $0xD;
	s1 =	sshrl.u32 s1, $0x2  }
0xbc: {  	s3 =	sand.u32 $0x4000, s31;
	s1 =	sadd.s32 s1, s30  }
0xbd: {  	s0 =	sor.u32 s3, s0;
	s1 =	sshll.u32 s1, $0x11  }
0xbe: {  	s0 =	sor.u32 s1, s0  }
0xbf: {  	s0 =	sadd.s32 $0x8F2B, s0  }
0xc0: {  	[sflag:s0] =	ssyncadd.remote.s32 $0x1  }
0xc1: {  	_ =	sfence.sel $0xFFFF  }
0xc2: {  	[dreg:$0x0] =	wrdreg $0xFFFFFFFF;
	(pc) =	sbr.abs _section_cstart, $3  }
0xc3: {  	[dreg:$0x1] =	wrdreg $0xFFFFFFFF  }
0xc4: {  	_ =	task.clear_ibuf [dreg:s9], $0x2FFFF;
	_ =	strace $0x9FFFFFFF  }
0xc5: {  	(tm) =	ssettm $0x7FFFFFFF  }
tec
execute0_lowered:
.L_overlay_start_1:
0x0: {  	(tag) =	ssettag $0x1  }
0x1: {  	s0 =	rddreg [dreg:$0x0]  }
0x2: {  	s1 =	srdreg.scid;
	s2 =	rddreg [dreg:$0x1]  }
0x3: {  	s9 =	stileid.u32;
	s3 =	rddreg [dreg:$0x2]  }
0x4: {  	s4 =	simm.s32 $0x0;
	s17 =	simm.s32 $0x3;
	s18 =	simm.s32 $0x4000  }
0x5: {  	s20 =	simm.s32 $0x8000;
	s22 =	simm.s32 $0xC000;
	s24 =	simm.s32 $0x10000  }
0x6: {  	s25 =	simm.s32 $0x1;
	s26 =	simm.s32 $0x2;
	s28 =	simm.s32 $0x80  }
0x7: {  	s29 =	simm.s32 $0x0;
	s1 =	sand.u32 $0x1, s1;
	s5 =	sshll.u32 s9, $0xA  }
0x8: {  	[smem:$0x7FF] =	sst s4;
	s31 =	sshll.u32 s9, $0x11;
	s6 =	sshll.u32 s1, $0x9  }
0x9: {  	s7 =	ssub.s32 $0x2, s1;
	_ =	strace $0x80000047;
	s6 =	sor.u32 s6, s5  }
0xa: {  	s1 =	sshll.u32 s1, $0x10;
	s8 =	sshrl.u32 s7, $0x1;
	s5 =	sshll.u32 s6, $0x4  }
0xb: {  	s10 =	ssub.s32 s7, s8;
	s6 =	sadd.s32 s0, s6;
	s0 =	sor.u32 s1, s31  }
0xc: {  	s5 =	sadd.s32 s3, s5;
	s10 =	smax.u32 s10, $0x1;
	s1 =	sor.u32 $0x20C000, s0  }
0xd: {  	s11 =	sor.u32 $0x208000, s0;
	s12 =	sor.u32 $0x204000, s0;
	s14 =	sor.u32 $0x200000, s0  }
0xe: {  	s7 =	sadd.s32 $0x800, s5;
	s8 =	sadd.s32 $0x1000, s5;
	s9 =	sadd.s32 $0x1800, s5  }
0xf: {  	s1 =	sshrl.u32 s1, $0x3;
	s11 =	sshrl.u32 s11, $0x3;
	s13 =	sshrl.u32 s12, $0x3  }
0x10: {  	s19 =	sadd.s32 s1, s3;
	s12 =	sadd.s32 s11, s3;
	s13 =	sadd.s32 s13, s3  }
.LBB2_1:
0x11: {  	s0 =	simm.s32 $0x1000;
	s1 =	simm.s32 $0x20000  }
0x12: {  	[tilespmem:s4], [sflag:$0x3] =	stream.strided.gather [hbm4b:s6+s0], $0x4000, s1, s0, $0x38;
	[tilespmem:$0x14000] =	vst v63  }
0x13: {  	_ =	swait.ge [sflag:s17], $0x4000  }
0x14: {  	[sflag:s17] =	ssyncset.done $0x0  }
0x15: {  	[sflag:s17] =	ssyncadd.s32 $0xFFFFC000  }
0x16: {  	[tilespmem:s18], [sflag:$0x1] =	stream.indirect.gather [hbm4b:s2+s28], $0x80, s4, s28, $0xb8;
	[tilespmem:$0x14000] =	vst v63  }
0x17: {  	s23 =	simm.s32 $0x400  }
0x18: {  	[tilespmem:s20], [sflag:$0x1] =	stream.indirect.gather [hbm4b:s2+s28], $0x80, s23, s28, $0xb8;
	[tilespmem:$0x14000] =	vst v63  }
0x19: {  	s1 =	simm.s32 $0x800  }
0x1a: {  	[tilespmem:s22], [sflag:$0x1] =	stream.indirect.gather [hbm4b:s2+s28], $0x80, s1, s28, $0xb8;
	[tilespmem:$0x14000] =	vst v63  }
0x1b: {  	s11 =	simm.s32 $0xC00  }
0x1c: {  	[tilespmem:s24], [sflag:$0x1] =	stream.indirect.gather [hbm4b:s2+s28], $0x80, s11, s28, $0xb8;
	[tilespmem:$0x14000] =	vst v63  }
0x1d: {  	_ =	swait.ge [sflag:s25], $0x4000  }
0x1e: {  	[sflag:s25] =	ssyncset.done $0x0  }
0x1f: {  	[sflag:s25] =	ssyncadd.s32 $0xFFFFC000  }
0x20: {  	[hbm4b:s5+s4] =	stream.linear.scatter [tilespmem:s18], [sflag:$0x2], $0x4000, $0x38;
	[tilespmem:$0x14000] =	vst v63  }
0x21: {  	_ =	swait.ge [sflag:s25], $0x4000  }
0x22: {  	[sflag:s25] =	ssyncset.done $0x0  }
0x23: {  	[sflag:s25] =	ssyncadd.s32 $0xFFFFC000  }
0x24: {  	[hbm4b:s7+s4] =	stream.linear.scatter [tilespmem:s20], [sflag:$0x2], $0x4000, $0x38;
	[tilespmem:$0x14000] =	vst v63  }
0x25: {  	_ =	swait.ge [sflag:s25], $0x4000  }
0x26: {  	[sflag:s25] =	ssyncset.done $0x0  }
0x27: {  	[sflag:s25] =	ssyncadd.s32 $0xFFFFC000  }
0x28: {  	[hbm4b:s8+s4] =	stream.linear.scatter [tilespmem:s22], [sflag:$0x2], $0x4000, $0x38;
	[tilespmem:$0x14000] =	vst v63  }
0x29: {  	_ =	swait.ge [sflag:s25], $0x4000  }
0x2a: {  	[sflag:s25] =	ssyncset.done $0x0  }
0x2b: {  	[sflag:s25] =	ssyncadd.s32 $0xFFFFC000  }
0x2c: {  	[hbm4b:s9+s4] =	stream.linear.scatter [tilespmem:s24], [sflag:$0x2], $0x4000, $0x38;
	[tilespmem:$0x14000] =	vst v63  }
0x2d: {  	s15 =	simm.s32 $0x200;
	_ =	swait.ge [sflag:s26], $0x4000  }
0x2e: {  	s16 =	sand.u32 $0x380, s28;
	s0 =	sand.u32 $0x3000, s15;
	[sflag:s26] =	ssyncset.done $0x0  }
0x2f: {  	s0 =	sor.u32 s16, s0;
	[sflag:s26] =	ssyncadd.s32 $0xFFFFC000  }
0x30: {  	[tilespmem:s18], [sflag:$0x1] =	stream.indirect.gather [hbm4b:s2+s28], $0x80, s0, s28, $0xb8;
	[tilespmem:$0x14000] =	vst v63  }
0x31: {  	_ =	swait.ge [sflag:s26], $0x4000  }
0x32: {  	[sflag:s26] =	ssyncset.done $0x0  }
0x33: {  	s1 =	sor.u32 $0x400, s0;
	[sflag:s26] =	ssyncadd.s32 $0xFFFFC000  }
0x34: {  	[tilespmem:s20], [sflag:$0x1] =	stream.indirect.gather [hbm4b:s2+s28], $0x80, s1, s28, $0xb8;
	[tilespmem:$0x14000] =	vst v63  }
0x35: {  	_ =	swait.ge [sflag:s26], $0x4000  }
0x36: {  	[sflag:s26] =	ssyncset.done $0x0  }
0x37: {  	s21 =	sor.u32 $0x800, s0;
	[sflag:s26] =	ssyncadd.s32 $0xFFFFC000  }
0x38: {  	[tilespmem:s22], [sflag:$0x1] =	stream.indirect.gather [hbm4b:s2+s28], $0x80, s21, s28, $0xb8;
	[tilespmem:$0x14000] =	vst v63  }
0x39: {  	_ =	swait.ge [sflag:s26], $0x4000  }
0x3a: {  	[sflag:s26] =	ssyncset.done $0x0  }
0x3b: {  	s0 =	sor.u32 $0xC00, s0;
	[sflag:s26] =	ssyncadd.s32 $0xFFFFC000  }
0x3c: {  	[tilespmem:s24], [sflag:$0x1] =	stream.indirect.gather [hbm4b:s2+s28], $0x80, s0, s28, $0xb8;
	[tilespmem:$0x14000] =	vst v63  }
0x3d: {  	_ =	swait.ge [sflag:s25], $0x4000  }
0x3e: {  	s23 =	sshrl.u32 s14, $0x3;
	[sflag:s25] =	ssyncset.done $0x0  }
0x3f: {  	s0 =	sadd.s32 s3, s23;
	[sflag:s25] =	ssyncadd.s32 $0xFFFFC000  }
0x40: {  	[hbm4b:s0+s4] =	stream.linear.scatter [tilespmem:s18], [sflag:$0x2], $0x4000, $0x38;
	[tilespmem:$0x14000] =	vst v63  }
0x41: {  	_ =	swait.ge [sflag:s25], $0x4000  }
0x42: {  	[sflag:s25] =	ssyncset.done $0x0  }
0x43: {  	[sflag:s25] =	ssyncadd.s32 $0xFFFFC000  }
0x44: {  	[hbm4b:s13+s4] =	stream.linear.scatter [tilespmem:s20], [sflag:$0x2], $0x4000, $0x38;
	[tilespmem:$0x14000] =	vst v63  }
0x45: {  	_ =	swait.ge [sflag:s25], $0x4000  }
0x46: {  	[sflag:s25] =	ssyncset.done $0x0  }
0x47: {  	s30 =	simm.s32 $0x400;
	[sflag:s25] =	ssyncadd.s32 $0xFFFFC000  }
0x48: {  	[hbm4b:s12+s4] =	stream.linear.scatter [tilespmem:s22], [sflag:$0x2], $0x4000, $0x38;
	[tilespmem:$0x14000] =	vst v63  }
0x49: {  	s31 =	simm.s32 $0x100;
	s15 =	sadd.s32 $0x40000, s19;
	_ =	swait.ge [sflag:s25], $0x4000  }
0x4a: {  	s16 =	sadd.s32 $0x40000, s12;
	s11 =	smov.u32 s19;
	[sflag:s25] =	ssyncset.done $0x0  }
0x4b: {  	s1 =	sadd.s32 $0x40000, s13;
	s0 =	sadd.s32 $0x200000, s14;
	[sflag:s25] =	ssyncadd.s32 $0xFFFFC000  }
.LBB2_2:
0x4c: {  	[hbm4b:s11+s4] =	stream.linear.scatter [tilespmem:s24], [sflag:$0x2], $0x4000, $0x38;
	[tilespmem:$0x14000] =	vst v63  }
0x4d: {  	s21 =	smov.u32 s30;
	s11 =	smov.u32 s15  }
0x4e: {  	p0 =	sne.s32 s30, $0x3200;
	s30 =	sadd.s32 $0x200, s30;
	_ =	swait.ge [sflag:s26], $0x4000  }
0x4f: {  	s23 =	sand.u32 $0x380, s31;
	s21 =	sand.u32 $0x3000, s21;
	[sflag:s26] =	ssyncset.done $0x0  }
0x50: {  	s21 =	sor.u32 s23, s21;
	[sflag:s26] =	ssyncadd.s32 $0xFFFFC000  }
0x51: {  	[tilespmem:s18], [sflag:$0x1] =	stream.indirect.gather [hbm4b:s2+s28], $0x80, s21, s28, $0xb8;
	[tilespmem:$0x14000] =	vst v63  }
0x52: {  	_ =	swait.ge [sflag:s26], $0x4000  }
0x53: {  	[sflag:s26] =	ssyncset.done $0x0  }
0x54: {  	s23 =	sor.u32 $0x400, s21;
	[sflag:s26] =	ssyncadd.s32 $0xFFFFC000  }
0x55: {  	[tilespmem:s20], [sflag:$0x1] =	stream.indirect.gather [hbm4b:s2+s28], $0x80, s23, s28, $0xb8;
	[tilespmem:$0x14000] =	vst v63  }
0x56: {  	_ =	swait.ge [sflag:s26], $0x4000  }
0x57: {  	[sflag:s26] =	ssyncset.done $0x0  }
0x58: {  	s23 =	sor.u32 $0x800, s21;
	[sflag:s26] =	ssyncadd.s32 $0xFFFFC000  }
0x59: {  	[tilespmem:s22], [sflag:$0x1] =	stream.indirect.gather [hbm4b:s2+s28], $0x80, s23, s28, $0xb8;
	[tilespmem:$0x14000] =	vst v63  }
0x5a: {  	_ =	swait.ge [sflag:s26], $0x4000  }
0x5b: {  	[sflag:s26] =	ssyncset.done $0x0  }
0x5c: {  	s21 =	sor.u32 $0xC00, s21;
	[sflag:s26] =	ssyncadd.s32 $0xFFFFC000  }
0x5d: {  	[tilespmem:s24], [sflag:$0x1] =	stream.indirect.gather [hbm4b:s2+s28], $0x80, s21, s28, $0xb8;
	[tilespmem:$0x14000] =	vst v63  }
0x5e: {  	_ =	swait.ge [sflag:s25], $0x4000  }
0x5f: {  	s21 =	sshrl.u32 s0, $0x3;
	[sflag:s25] =	ssyncset.done $0x0  }
0x60: {  	s21 =	sadd.s32 s3, s21;
	[sflag:s25] =	ssyncadd.s32 $0xFFFFC000  }
0x61: {  	[hbm4b:s21+s4] =	stream.linear.scatter [tilespmem:s18], [sflag:$0x2], $0x4000, $0x38;
	[tilespmem:$0x14000] =	vst v63  }
0x62: {  	_ =	swait.ge [sflag:s25], $0x4000  }
0x63: {  	[sflag:s25] =	ssyncset.done $0x0  }
0x64: {  	[sflag:s25] =	ssyncadd.s32 $0xFFFFC000  }
0x65: {  	[hbm4b:s1+s4] =	stream.linear.scatter [tilespmem:s20], [sflag:$0x2], $0x4000, $0x38;
	[tilespmem:$0x14000] =	vst v63  }
0x66: {  	_ =	swait.ge [sflag:s25], $0x4000  }
0x67: {  	[sflag:s25] =	ssyncset.done $0x0  }
.Ltmp0:
0x68: {  	[sflag:s25] =	ssyncadd.s32 $0xFFFFC000;
	(pc) =	sbr.rel @p0 .LBB2_2-.Ltmp0, $4  }
0x69: {  	[hbm4b:s16+s4] =	stream.linear.scatter [tilespmem:s22], [sflag:$0x2], $0x4000, $0x38;
	[tilespmem:$0x14000] =	vst v63  }
0x6a: {  	s31 =	sadd.s32 $0x80, s31;
	_ =	swait.ge [sflag:s25], $0x4000  }
0x6b: {  	s0 =	sadd.s32 $0x200000, s0;
	s1 =	sadd.s32 $0x40000, s1;
	[sflag:s25] =	ssyncset.done $0x0  }
0x6c: {  	s15 =	sadd.s32 $0x40000, s15;
	s16 =	sadd.s32 $0x40000, s16;
	[sflag:s25] =	ssyncadd.s32 $0xFFFFC000  }
0x6d: {  	[hbm4b:s11+s4] =	stream.linear.scatter [tilespmem:s24], [sflag:$0x2], $0x4000, $0x38;
	[tilespmem:$0x14000] =	vst v63  }
0x6e: {  	_ =	swait.ge [sflag:s26], $0x4000  }
0x6f: {  	[sflag:s26] =	ssyncset.done $0x0  }
0x70: {  	[sflag:s26] =	ssyncadd.s32 $0xFFFFC000  }
0x71: {  	_ =	swait.ge [sflag:s26], $0x4000  }
0x72: {  	[sflag:s26] =	ssyncset.done $0x0  }
0x73: {  	s29 =	sadd.s32 $0x1, s29;
	[sflag:s26] =	ssyncadd.s32 $0xFFFFC000  }
0x74: {  	p0 =	sne.s32 s29, s10;
	_ =	swait.ge [sflag:s26], $0x4000  }
.Ltmp1:
0x75: {  	[sflag:s26] =	ssyncset.done $0x0;
	(pc) =	sbr.rel @p0 .LBB2_1-.Ltmp1, $4  }
0x76: {  	[sflag:s26] =	ssyncadd.s32 $0xFFFFC000  }
0x77: {  	_ =	swait.ge [sflag:s26], $0x4000  }
0x78: {  	[sflag:s26] =	ssyncset.done $0x0  }
0x79: {  	[sflag:s26] =	ssyncadd.s32 $0xFFFFC000  }
0x7a: {  	_ =	sfence.sel $0x180000  }
0x7b: {  	[bflag:$0x0] =	sbarrier.arrive $0xFFFF  }
0x7c: {  	_ =	strace $0x90000047  }
0x7d: {  	s0 =	stileid.u32;
	[bflag:$0x2] =	sbarrier.arrive $0xFFFF  }
0x7e: {  	p0 =	sne.s32 s0, $0x0;
	s0 =	rddreg [dreg:$0x3]  }
0x7f: {  	s0 =	sadd.s32 @!p0 $0x100000, s0  }
0x80: {  	[sflag:s0] =	ssyncadd.tile.s32 @!p0 $0x1;
	_ =	shalt  }
.Lfunc_end2:
_tile_overlayer_lowered:
.L_overlay_start_2:
0x81: {  	(tag) =	ssettag $0x2  }
0x82: {  	s0 =	rddreg [dreg:$0x0];
	s2 =	stileid.u32  }
0x83: {  	s1 =	rddreg [dreg:$0x1];
	p0 =	sne.s32 s2, $0x0  }
0x84: {  	s3 =	rddreg [dreg:$0x2];
	[bflag:$0x3] =	sbarrier.arrive $0xFFFF;
	s2 =	simm.s32 @!p0 $0x1C03  }
0x85: {  	[timem:s3], [sflag:s2] =	dma.local @!p0 [hbm:s0], s1  }
0x86: {  	s0 =	simm.s32 @!p0 $0x3  }
0x87: {  	_ =	swait.ge @!p0 [sflag:s0], s1  }
0x88: {  	s1 =	ssub.s32 @!p0 $0x0, s1;
	[sflag:s0] =	ssyncset.done @!p0 $0x0  }
0x89: {  	[sflag:s0] =	ssyncadd.s32 @!p0 s1  }
0x8a: {  	[bflag:$0x3] =	sbarrier.arrive $0xFFFF  }
0x8b: {  	_ =	shalt  }

</sc_bundles>
